<compile_context>
chip_gen: v7x
topology: tpu7x:2x2x1
jax: 0.10.2.dev20260603
libtpu: 0.0.44.dev20260713+nightly
codegen_flags: <defaults>
</compile_context>

<pallas_src>
import functools

import jax
import jax.numpy as jnp
from jax import lax
from jax.experimental import pallas as pl
from jax.experimental.pallas import tpu as pltpu
from jax.experimental.pallas import tpu_sc as plsc

_N_USERS = 100000
_N_ITEMS = 1000
_PAD_ITEMS = 1024
_BATCH = 16384
_NC, _NS, _L = 2, 16, 16
_NW = _NC * _NS
_CHUNK = 128
_ROWS_PER_W = _BATCH // (_NW * _CHUNK)
_GROWS = 64


def _build():
    mesh = plsc.VectorSubcoreMesh(core_axis_name="c", subcore_axis_name="s")

    @functools.partial(
        pl.kernel,
        mesh=mesh,
        compiler_params=pltpu.CompilerParams(
            use_tc_tiling_on_sc=True, needs_layout_passes=False),
        out_type=jax.ShapeDtypeStruct((_NW * _ROWS_PER_W, _CHUNK), jnp.float32),
        scratch_types=[
            pltpu.VMEM((_ROWS_PER_W, _CHUNK), jnp.int32),
            pltpu.VMEM((_ROWS_PER_W, _CHUNK), jnp.int32),
            pltpu.VMEM((_GROWS, _PAD_ITEMS), jnp.float32),
            pltpu.VMEM((_ROWS_PER_W, _CHUNK), jnp.float32),
            pltpu.SemaphoreType.DMA,
        ],
    )
    def gather_kernel(users_hbm, items_hbm, scores_hbm, out_hbm,
                      u_v, it_v, rows_v, sel_v, sem):
        wid = lax.axis_index("s") * _NC + lax.axis_index("c")
        base = wid * _ROWS_PER_W
        pltpu.sync_copy(users_hbm.at[pl.ds(base, _ROWS_PER_W)], u_v)
        pltpu.sync_copy(items_hbm.at[pl.ds(base, _ROWS_PER_W)], it_v)
        sub = lax.iota(jnp.int32, _L)
        n_chunks = (_ROWS_PER_W * _CHUNK) // _GROWS
        per_row = _CHUNK // _GROWS
        for c in range(n_chunks):
            j, off = c // per_row, (c % per_row) * _GROWS
            pltpu.async_copy(
                scores_hbm.at[u_v.at[j, pl.ds(off, _GROWS)]], rows_v, sem
            ).wait()
            for g in range(_GROWS // _L):
                s = pl.ds(off + g * _L, _L)
                sel_v[j, s] = plsc.load_gather(
                    rows_v, [sub + g * _L, it_v[j, s]])
        pltpu.sync_copy(sel_v, out_hbm.at[pl.ds(base, _ROWS_PER_W)])

    return gather_kernel


_GATHER = _build()


def kernel(users, items, scores):
    u2 = users.astype(jnp.int32).reshape(_NW * _ROWS_PER_W, _CHUNK)
    it2 = items.astype(jnp.int32).reshape(_NW * _ROWS_PER_W, _CHUNK)
    padded = jnp.pad(scores, ((0, 0), (0, _PAD_ITEMS - _N_ITEMS)))
    out = _GATHER(u2, it2, padded)
    return out.reshape(_BATCH)

# --- scband reference (transcript-rebuilt; emitter-appended) ---
"""Pipeline reference for scband-fixed-score-model-14620068676152 (READ-ONLY COPY).

The authoritative reference and input builder live on the scoring server;
editing this copy changes nothing except your own understanding.
"""

import jax, jax.numpy as jnp
import numpy as np

N_USERS = 100000
N_ITEMS = 1000
BATCH = 16384

def setup_inputs(seed: int = 0) -> dict:
    key = jax.random.key(seed)
    k1, k2, k3 = jax.random.split(key, 3)
    users = jax.random.randint(k1, (BATCH,), 0, N_USERS, dtype=jnp.int64) if jax.config.jax_enable_x64 else jax.random.randint(k1, (BATCH,), 0, N_USERS, dtype=jnp.int32)
    items = jax.random.randint(k2, (BATCH,), 0, N_ITEMS, dtype=jnp.int32)
    scores = jax.random.normal(k3, (N_USERS, N_ITEMS), dtype=jnp.float32)
    return {"users": users, "items": items, "scores": scores}

def reference(users, items, scores):
    # Faithful translation of _FixedScoreModel.forward: scores[users, items]
    return scores[users, items]

if __name__ == "__main__":
    import jax
    _d = setup_inputs()
    print(jax.jit(kernel)(*tuple(_d.values())))

</pallas_src>

<mosaic_0001>
#map = affine_map<(d0, d1) -> (0, 0)>
module attributes {stable_mosaic.version = 14 : i64} {
  func.func @gather_kernel(%arg0: i32, %arg1: i32, %arg2: memref<128x128xi32, #tpu.memory_space<hbm>>, %arg3: memref<128x128xi32, #tpu.memory_space<hbm>>, %arg4: memref<100000x1024xf32, #tpu.memory_space<hbm>>, %arg5: memref<128x128xf32, #tpu.memory_space<hbm>>, %arg6: memref<4x128xi32, #tpu.memory_space<vmem>>, %arg7: memref<4x128xi32, #tpu.memory_space<vmem>>, %arg8: memref<64x1024xf32, #tpu.memory_space<vmem>>, %arg9: memref<4x128xf32, #tpu.memory_space<vmem>>, %arg10: memref<!tpu.dma_semaphore, #tpu.memory_space<semaphore_mem>>) attributes {dimension_semantics = [#tpu.dimension_semantics<core_parallel>, #tpu.dimension_semantics<subcore_parallel>], iteration_bounds = array<i64: 2, 16>, scalar_prefetch = 0 : i64, scratch_operands = 5 : i64, tpu.core_type = #tpu.core_type<sc_vector_subcore>, window_params = [{transform_indices = #map}, {transform_indices = #map}, {transform_indices = #map}, {transform_indices = #map}]} {
    %mul3A = arith.constant 2 : i32
    %mul3A_0 = arith.muli %arg1, %mul3A : i32
    %add3A = arith.addi %mul3A_0, %arg0 : i32
    %mul3A_1 = arith.constant 4 : i32
    %mul3A_2 = arith.muli %add3A, %mul3A_1 : i32
    "tpu.region"() ({
      %run_scoped3A = tpu.sem_alloc : memref<!tpu.dma_semaphore, #tpu.memory_space<semaphore_mem>>
      %dma_start3A_494 = arith.constant 0 : i32
      %dma_start3A_495 = tpu.memref_slice %arg2[%mul3A_2, %dma_start3A_494] : memref<128x128xi32, #tpu.memory_space<hbm>> -> memref<4x128xi32, #tpu.memory_space<hbm>>
      %dma_start3A_496 = arith.constant 0 : i32
      %dma_start3A_497 = tpu.memref_slice %arg2[%mul3A_2, %dma_start3A_496] : memref<128x128xi32, #tpu.memory_space<hbm>> -> memref<4x128xi32, #tpu.memory_space<hbm>>
      tpu.enqueue_dma source(%dma_start3A_497 : memref<4x128xi32, #tpu.memory_space<hbm>>) target(%arg6 : memref<4x128xi32, #tpu.memory_space<vmem>>) target_semaphore(%run_scoped3A : memref<!tpu.dma_semaphore, #tpu.memory_space<semaphore_mem>>)
      %dma_wait3A_498 = arith.constant 0 : i32
      %dma_wait3A_499 = tpu.memref_slice %arg2[%mul3A_2, %dma_wait3A_498] : memref<128x128xi32, #tpu.memory_space<hbm>> -> memref<4x128xi32, #tpu.memory_space<hbm>>
      %dma_wait3A_500 = arith.constant 0 : i32
      %dma_wait3A_501 = tpu.memref_slice %arg2[%mul3A_2, %dma_wait3A_500] : memref<128x128xi32, #tpu.memory_space<hbm>> -> memref<4x128xi32, #tpu.memory_space<hbm>>
      tpu.wait_dma2 semaphore(%run_scoped3A : memref<!tpu.dma_semaphore, #tpu.memory_space<semaphore_mem>>) src(%dma_wait3A_501 : memref<4x128xi32, #tpu.memory_space<hbm>>) dst(%arg6 : memref<4x128xi32, #tpu.memory_space<vmem>>)
      tpu.yield
    }) : () -> ()
    "tpu.region"() ({
      %run_scoped3A = tpu.sem_alloc : memref<!tpu.dma_semaphore, #tpu.memory_space<semaphore_mem>>
      %dma_start3A_494 = arith.constant 0 : i32
      %dma_start3A_495 = tpu.memref_slice %arg3[%mul3A_2, %dma_start3A_494] : memref<128x128xi32, #tpu.memory_space<hbm>> -> memref<4x128xi32, #tpu.memory_space<hbm>>
      %dma_start3A_496 = arith.constant 0 : i32
      %dma_start3A_497 = tpu.memref_slice %arg3[%mul3A_2, %dma_start3A_496] : memref<128x128xi32, #tpu.memory_space<hbm>> -> memref<4x128xi32, #tpu.memory_space<hbm>>
      tpu.enqueue_dma source(%dma_start3A_497 : memref<4x128xi32, #tpu.memory_space<hbm>>) target(%arg7 : memref<4x128xi32, #tpu.memory_space<vmem>>) target_semaphore(%run_scoped3A : memref<!tpu.dma_semaphore, #tpu.memory_space<semaphore_mem>>)
      %dma_wait3A_498 = arith.constant 0 : i32
      %dma_wait3A_499 = tpu.memref_slice %arg3[%mul3A_2, %dma_wait3A_498] : memref<128x128xi32, #tpu.memory_space<hbm>> -> memref<4x128xi32, #tpu.memory_space<hbm>>
      %dma_wait3A_500 = arith.constant 0 : i32
      %dma_wait3A_501 = tpu.memref_slice %arg3[%mul3A_2, %dma_wait3A_500] : memref<128x128xi32, #tpu.memory_space<hbm>> -> memref<4x128xi32, #tpu.memory_space<hbm>>
      tpu.wait_dma2 semaphore(%run_scoped3A : memref<!tpu.dma_semaphore, #tpu.memory_space<semaphore_mem>>) src(%dma_wait3A_501 : memref<4x128xi32, #tpu.memory_space<hbm>>) dst(%arg7 : memref<4x128xi32, #tpu.memory_space<vmem>>)
      tpu.yield
    }) : () -> ()
    %iota3A = tpu.iota {dimensions = array<i32: 0>} : vector<16xi32>
    %dma_start3A = arith.constant 0 : i32
    %dma_start3A_3 = arith.constant 0 : i32
    %dma_start3A_4 = tpu.memref_slice %arg6[%dma_start3A, %dma_start3A_3] : memref<4x128xi32, #tpu.memory_space<vmem>> -> memref<1x64xi32, #tpu.memory_space<vmem>>
    %dma_start3A_5 = tpu.memref_squeeze %dma_start3A_4 : memref<1x64xi32, #tpu.memory_space<vmem>> -> memref<64xi32, #tpu.memory_space<vmem>>
    %dma_start3A_6 = arith.constant 0 : i32
    %dma_start3A_7 = arith.constant 0 : i32
    %dma_start3A_8 = tpu.memref_slice %arg4[%dma_start3A_6, %dma_start3A_7] : memref<100000x1024xf32, #tpu.memory_space<hbm>> -> memref<100000x1024xf32, #tpu.memory_space<hbm>>
    tpu.enqueue_indirect_dma source(%dma_start3A_8 : memref<100000x1024xf32, #tpu.memory_space<hbm>>) target(%arg8 : memref<64x1024xf32, #tpu.memory_space<vmem>>) offsets(%dma_start3A_5 : memref<64xi32, #tpu.memory_space<vmem>>) semaphore(%arg10 : memref<!tpu.dma_semaphore, #tpu.memory_space<semaphore_mem>>)
    %dma_wait3A = arith.constant 0 : i32
    %dma_wait3A_9 = arith.constant 0 : i32
    %dma_wait3A_10 = tpu.memref_slice %arg6[%dma_wait3A, %dma_wait3A_9] : memref<4x128xi32, #tpu.memory_space<vmem>> -> memref<1x64xi32, #tpu.memory_space<vmem>>
    %dma_wait3A_11 = tpu.memref_squeeze %dma_wait3A_10 : memref<1x64xi32, #tpu.memory_space<vmem>> -> memref<64xi32, #tpu.memory_space<vmem>>
    %dma_wait3A_12 = arith.constant 0 : i32
    %dma_wait3A_13 = arith.constant 0 : i32
    %dma_wait3A_14 = tpu.memref_slice %arg4[%dma_wait3A_12, %dma_wait3A_13] : memref<100000x1024xf32, #tpu.memory_space<hbm>> -> memref<100000x1024xf32, #tpu.memory_space<hbm>>
    tpu.wait_indirect_dma semaphore(%arg10 : memref<!tpu.dma_semaphore, #tpu.memory_space<semaphore_mem>>) src(%dma_wait3A_14 : memref<100000x1024xf32, #tpu.memory_space<hbm>>) dst(%arg8 : memref<64x1024xf32, #tpu.memory_space<vmem>>)
    %add3A_15 = arith.constant 0 : i32
    %add3A_16 = vector.broadcast %add3A_15 : i32 to vector<16xi32>
    %add3A_17 = arith.addi %iota3A, %add3A_16 : vector<16xi32>
    %get3A = arith.constant 0 : i32
    %get3A_18 = arith.index_cast %get3A : i32 to index
    %get3A_19 = arith.constant 0 : index
    %get3A_20 = tpu.vector_load %arg7[%get3A_18, %get3A_19] {strides = array<i32>} : memref<4x128xi32, #tpu.memory_space<vmem>>, vector<16xi32>,
    %gather3A = tpu.vector_load_idx %arg8[%add3A_17, %get3A_20] : memref<64x1024xf32, #tpu.memory_space<vmem>>[vector<16xi32>, vector<16xi32>], vector<16xf32>,
    %swap3A = arith.constant 0 : i32
    %swap3A_21 = arith.index_cast %swap3A : i32 to index
    %swap3A_22 = arith.constant 0 : index
    %swap3A_23 = tpu.vector_load %arg9[%swap3A_21, %swap3A_22] {strides = array<i32>} : memref<4x128xf32, #tpu.memory_space<vmem>>, vector<16xf32>,
    tpu.vector_store %arg9[%swap3A_21, %swap3A_22], %gather3A {strides = array<i32>} : memref<4x128xf32, #tpu.memory_space<vmem>>, vector<16xf32>,
    %add3A_24 = arith.constant 16 : i32
    %add3A_25 = vector.broadcast %add3A_24 : i32 to vector<16xi32>
    %add3A_26 = arith.addi %iota3A, %add3A_25 : vector<16xi32>
    %get3A_27 = arith.constant 0 : i32
    %get3A_28 = arith.index_cast %get3A_27 : i32 to index
    %get3A_29 = arith.constant 16 : index
    %get3A_30 = tpu.vector_load %arg7[%get3A_28, %get3A_29] {strides = array<i32>} : memref<4x128xi32, #tpu.memory_space<vmem>>, vector<16xi32>,
    %gather3A_31 = tpu.vector_load_idx %arg8[%add3A_26, %get3A_30] : memref<64x1024xf32, #tpu.memory_space<vmem>>[vector<16xi32>, vector<16xi32>], vector<16xf32>,
    %swap3A_32 = arith.constant 0 : i32
    %swap3A_33 = arith.index_cast %swap3A_32 : i32 to index
    %swap3A_34 = arith.constant 16 : index
    %swap3A_35 = tpu.vector_load %arg9[%swap3A_33, %swap3A_34] {strides = array<i32>} : memref<4x128xf32, #tpu.memory_space<vmem>>, vector<16xf32>,
    tpu.vector_store %arg9[%swap3A_33, %swap3A_34], %gather3A_31 {strides = array<i32>} : memref<4x128xf32, #tpu.memory_space<vmem>>, vector<16xf32>,
    %add3A_36 = arith.constant 32 : i32
    %add3A_37 = vector.broadcast %add3A_36 : i32 to vector<16xi32>
    %add3A_38 = arith.addi %iota3A, %add3A_37 : vector<16xi32>
    %get3A_39 = arith.constant 0 : i32
    %get3A_40 = arith.index_cast %get3A_39 : i32 to index
    %get3A_41 = arith.constant 32 : index
    %get3A_42 = tpu.vector_load %arg7[%get3A_40, %get3A_41] {strides = array<i32>} : memref<4x128xi32, #tpu.memory_space<vmem>>, vector<16xi32>,
    %gather3A_43 = tpu.vector_load_idx %arg8[%add3A_38, %get3A_42] : memref<64x1024xf32, #tpu.memory_space<vmem>>[vector<16xi32>, vector<16xi32>], vector<16xf32>,
    %swap3A_44 = arith.constant 0 : i32
    %swap3A_45 = arith.index_cast %swap3A_44 : i32 to index
    %swap3A_46 = arith.constant 32 : index
    %swap3A_47 = tpu.vector_load %arg9[%swap3A_45, %swap3A_46] {strides = array<i32>} : memref<4x128xf32, #tpu.memory_space<vmem>>, vector<16xf32>,
    tpu.vector_store %arg9[%swap3A_45, %swap3A_46], %gather3A_43 {strides = array<i32>} : memref<4x128xf32, #tpu.memory_space<vmem>>, vector<16xf32>,
    %add3A_48 = arith.constant 48 : i32
    %add3A_49 = vector.broadcast %add3A_48 : i32 to vector<16xi32>
    %add3A_50 = arith.addi %iota3A, %add3A_49 : vector<16xi32>
    %get3A_51 = arith.constant 0 : i32
    %get3A_52 = arith.index_cast %get3A_51 : i32 to index
    %get3A_53 = arith.constant 48 : index
    %get3A_54 = tpu.vector_load %arg7[%get3A_52, %get3A_53] {strides = array<i32>} : memref<4x128xi32, #tpu.memory_space<vmem>>, vector<16xi32>,
    %gather3A_55 = tpu.vector_load_idx %arg8[%add3A_50, %get3A_54] : memref<64x1024xf32, #tpu.memory_space<vmem>>[vector<16xi32>, vector<16xi32>], vector<16xf32>,
    %swap3A_56 = arith.constant 0 : i32
    %swap3A_57 = arith.index_cast %swap3A_56 : i32 to index
    %swap3A_58 = arith.constant 48 : index
    %swap3A_59 = tpu.vector_load %arg9[%swap3A_57, %swap3A_58] {strides = array<i32>} : memref<4x128xf32, #tpu.memory_space<vmem>>, vector<16xf32>,
    tpu.vector_store %arg9[%swap3A_57, %swap3A_58], %gather3A_55 {strides = array<i32>} : memref<4x128xf32, #tpu.memory_space<vmem>>, vector<16xf32>,
    %dma_start3A_60 = arith.constant 0 : i32
    %dma_start3A_61 = arith.constant 64 : i32
    %dma_start3A_62 = tpu.memref_slice %arg6[%dma_start3A_60, %dma_start3A_61] : memref<4x128xi32, #tpu.memory_space<vmem>> -> memref<1x64xi32, #tpu.memory_space<vmem>>
    %dma_start3A_63 = tpu.memref_squeeze %dma_start3A_62 : memref<1x64xi32, #tpu.memory_space<vmem>> -> memref<64xi32, #tpu.memory_space<vmem>>
    %dma_start3A_64 = arith.constant 0 : i32
    %dma_start3A_65 = arith.constant 0 : i32
    %dma_start3A_66 = tpu.memref_slice %arg4[%dma_start3A_64, %dma_start3A_65] : memref<100000x1024xf32, #tpu.memory_space<hbm>> -> memref<100000x1024xf32, #tpu.memory_space<hbm>>
    tpu.enqueue_indirect_dma source(%dma_start3A_66 : memref<100000x1024xf32, #tpu.memory_space<hbm>>) target(%arg8 : memref<64x1024xf32, #tpu.memory_space<vmem>>) offsets(%dma_start3A_63 : memref<64xi32, #tpu.memory_space<vmem>>) semaphore(%arg10 : memref<!tpu.dma_semaphore, #tpu.memory_space<semaphore_mem>>)
    %dma_wait3A_67 = arith.constant 0 : i32
    %dma_wait3A_68 = arith.constant 64 : i32
    %dma_wait3A_69 = tpu.memref_slice %arg6[%dma_wait3A_67, %dma_wait3A_68] : memref<4x128xi32, #tpu.memory_space<vmem>> -> memref<1x64xi32, #tpu.memory_space<vmem>>
    %dma_wait3A_70 = tpu.memref_squeeze %dma_wait3A_69 : memref<1x64xi32, #tpu.memory_space<vmem>> -> memref<64xi32, #tpu.memory_space<vmem>>
    %dma_wait3A_71 = arith.constant 0 : i32
    %dma_wait3A_72 = arith.constant 0 : i32
    %dma_wait3A_73 = tpu.memref_slice %arg4[%dma_wait3A_71, %dma_wait3A_72] : memref<100000x1024xf32, #tpu.memory_space<hbm>> -> memref<100000x1024xf32, #tpu.memory_space<hbm>>
    tpu.wait_indirect_dma semaphore(%arg10 : memref<!tpu.dma_semaphore, #tpu.memory_space<semaphore_mem>>) src(%dma_wait3A_73 : memref<100000x1024xf32, #tpu.memory_space<hbm>>) dst(%arg8 : memref<64x1024xf32, #tpu.memory_space<vmem>>)
    %add3A_74 = arith.constant 0 : i32
    %add3A_75 = vector.broadcast %add3A_74 : i32 to vector<16xi32>
    %add3A_76 = arith.addi %iota3A, %add3A_75 : vector<16xi32>
    %get3A_77 = arith.constant 0 : i32
    %get3A_78 = arith.index_cast %get3A_77 : i32 to index
    %get3A_79 = arith.constant 64 : index
    %get3A_80 = tpu.vector_load %arg7[%get3A_78, %get3A_79] {strides = array<i32>} : memref<4x128xi32, #tpu.memory_space<vmem>>, vector<16xi32>,
    %gather3A_81 = tpu.vector_load_idx %arg8[%add3A_76, %get3A_80] : memref<64x1024xf32, #tpu.memory_space<vmem>>[vector<16xi32>, vector<16xi32>], vector<16xf32>,
    %swap3A_82 = arith.constant 0 : i32
    %swap3A_83 = arith.index_cast %swap3A_82 : i32 to index
    %swap3A_84 = arith.constant 64 : index
    %swap3A_85 = tpu.vector_load %arg9[%swap3A_83, %swap3A_84] {strides = array<i32>} : memref<4x128xf32, #tpu.memory_space<vmem>>, vector<16xf32>,
    tpu.vector_store %arg9[%swap3A_83, %swap3A_84], %gather3A_81 {strides = array<i32>} : memref<4x128xf32, #tpu.memory_space<vmem>>, vector<16xf32>,
    %add3A_86 = arith.constant 16 : i32
    %add3A_87 = vector.broadcast %add3A_86 : i32 to vector<16xi32>
    %add3A_88 = arith.addi %iota3A, %add3A_87 : vector<16xi32>
    %get3A_89 = arith.constant 0 : i32
    %get3A_90 = arith.index_cast %get3A_89 : i32 to index
    %get3A_91 = arith.constant 80 : index
    %get3A_92 = tpu.vector_load %arg7[%get3A_90, %get3A_91] {strides = array<i32>} : memref<4x128xi32, #tpu.memory_space<vmem>>, vector<16xi32>,
    %gather3A_93 = tpu.vector_load_idx %arg8[%add3A_88, %get3A_92] : memref<64x1024xf32, #tpu.memory_space<vmem>>[vector<16xi32>, vector<16xi32>], vector<16xf32>,
    %swap3A_94 = arith.constant 0 : i32
    %swap3A_95 = arith.index_cast %swap3A_94 : i32 to index
    %swap3A_96 = arith.constant 80 : index
    %swap3A_97 = tpu.vector_load %arg9[%swap3A_95, %swap3A_96] {strides = array<i32>} : memref<4x128xf32, #tpu.memory_space<vmem>>, vector<16xf32>,
    tpu.vector_store %arg9[%swap3A_95, %swap3A_96], %gather3A_93 {strides = array<i32>} : memref<4x128xf32, #tpu.memory_space<vmem>>, vector<16xf32>,
    %add3A_98 = arith.constant 32 : i32
    %add3A_99 = vector.broadcast %add3A_98 : i32 to vector<16xi32>
    %add3A_100 = arith.addi %iota3A, %add3A_99 : vector<16xi32>
    %get3A_101 = arith.constant 0 : i32
    %get3A_102 = arith.index_cast %get3A_101 : i32 to index
    %get3A_103 = arith.constant 96 : index
    %get3A_104 = tpu.vector_load %arg7[%get3A_102, %get3A_103] {strides = array<i32>} : memref<4x128xi32, #tpu.memory_space<vmem>>, vector<16xi32>,
    %gather3A_105 = tpu.vector_load_idx %arg8[%add3A_100, %get3A_104] : memref<64x1024xf32, #tpu.memory_space<vmem>>[vector<16xi32>, vector<16xi32>], vector<16xf32>,
    %swap3A_106 = arith.constant 0 : i32
    %swap3A_107 = arith.index_cast %swap3A_106 : i32 to index
    %swap3A_108 = arith.constant 96 : index
    %swap3A_109 = tpu.vector_load %arg9[%swap3A_107, %swap3A_108] {strides = array<i32>} : memref<4x128xf32, #tpu.memory_space<vmem>>, vector<16xf32>,
    tpu.vector_store %arg9[%swap3A_107, %swap3A_108], %gather3A_105 {strides = array<i32>} : memref<4x128xf32, #tpu.memory_space<vmem>>, vector<16xf32>,
    %add3A_110 = arith.constant 48 : i32
    %add3A_111 = vector.broadcast %add3A_110 : i32 to vector<16xi32>
    %add3A_112 = arith.addi %iota3A, %add3A_111 : vector<16xi32>
    %get3A_113 = arith.constant 0 : i32
    %get3A_114 = arith.index_cast %get3A_113 : i32 to index
    %get3A_115 = arith.constant 112 : index
    %get3A_116 = tpu.vector_load %arg7[%get3A_114, %get3A_115] {strides = array<i32>} : memref<4x128xi32, #tpu.memory_space<vmem>>, vector<16xi32>,
    %gather3A_117 = tpu.vector_load_idx %arg8[%add3A_112, %get3A_116] : memref<64x1024xf32, #tpu.memory_space<vmem>>[vector<16xi32>, vector<16xi32>], vector<16xf32>,
    %swap3A_118 = arith.constant 0 : i32
    %swap3A_119 = arith.index_cast %swap3A_118 : i32 to index
    %swap3A_120 = arith.constant 112 : index
    %swap3A_121 = tpu.vector_load %arg9[%swap3A_119, %swap3A_120] {strides = array<i32>} : memref<4x128xf32, #tpu.memory_space<vmem>>, vector<16xf32>,
    tpu.vector_store %arg9[%swap3A_119, %swap3A_120], %gather3A_117 {strides = array<i32>} : memref<4x128xf32, #tpu.memory_space<vmem>>, vector<16xf32>,
    %dma_start3A_122 = arith.constant 1 : i32
    %dma_start3A_123 = arith.constant 0 : i32
    %dma_start3A_124 = tpu.memref_slice %arg6[%dma_start3A_122, %dma_start3A_123] : memref<4x128xi32, #tpu.memory_space<vmem>> -> memref<1x64xi32, #tpu.memory_space<vmem>>
    %dma_start3A_125 = tpu.memref_squeeze %dma_start3A_124 : memref<1x64xi32, #tpu.memory_space<vmem>> -> memref<64xi32, #tpu.memory_space<vmem>>
    %dma_start3A_126 = arith.constant 0 : i32
    %dma_start3A_127 = arith.constant 0 : i32
    %dma_start3A_128 = tpu.memref_slice %arg4[%dma_start3A_126, %dma_start3A_127] : memref<100000x1024xf32, #tpu.memory_space<hbm>> -> memref<100000x1024xf32, #tpu.memory_space<hbm>>
    tpu.enqueue_indirect_dma source(%dma_start3A_128 : memref<100000x1024xf32, #tpu.memory_space<hbm>>) target(%arg8 : memref<64x1024xf32, #tpu.memory_space<vmem>>) offsets(%dma_start3A_125 : memref<64xi32, #tpu.memory_space<vmem>>) semaphore(%arg10 : memref<!tpu.dma_semaphore, #tpu.memory_space<semaphore_mem>>)
    %dma_wait3A_129 = arith.constant 1 : i32
    %dma_wait3A_130 = arith.constant 0 : i32
    %dma_wait3A_131 = tpu.memref_slice %arg6[%dma_wait3A_129, %dma_wait3A_130] : memref<4x128xi32, #tpu.memory_space<vmem>> -> memref<1x64xi32, #tpu.memory_space<vmem>>
    %dma_wait3A_132 = tpu.memref_squeeze %dma_wait3A_131 : memref<1x64xi32, #tpu.memory_space<vmem>> -> memref<64xi32, #tpu.memory_space<vmem>>
    %dma_wait3A_133 = arith.constant 0 : i32
    %dma_wait3A_134 = arith.constant 0 : i32
    %dma_wait3A_135 = tpu.memref_slice %arg4[%dma_wait3A_133, %dma_wait3A_134] : memref<100000x1024xf32, #tpu.memory_space<hbm>> -> memref<100000x1024xf32, #tpu.memory_space<hbm>>
    tpu.wait_indirect_dma semaphore(%arg10 : memref<!tpu.dma_semaphore, #tpu.memory_space<semaphore_mem>>) src(%dma_wait3A_135 : memref<100000x1024xf32, #tpu.memory_space<hbm>>) dst(%arg8 : memref<64x1024xf32, #tpu.memory_space<vmem>>)
    %add3A_136 = arith.constant 0 : i32
    %add3A_137 = vector.broadcast %add3A_136 : i32 to vector<16xi32>
    %add3A_138 = arith.addi %iota3A, %add3A_137 : vector<16xi32>
    %get3A_139 = arith.constant 1 : i32
    %get3A_140 = arith.index_cast %get3A_139 : i32 to index
    %get3A_141 = arith.constant 0 : index
    %get3A_142 = tpu.vector_load %arg7[%get3A_140, %get3A_141] {strides = array<i32>} : memref<4x128xi32, #tpu.memory_space<vmem>>, vector<16xi32>,
    %gather3A_143 = tpu.vector_load_idx %arg8[%add3A_138, %get3A_142] : memref<64x1024xf32, #tpu.memory_space<vmem>>[vector<16xi32>, vector<16xi32>], vector<16xf32>,
    %swap3A_144 = arith.constant 1 : i32
    %swap3A_145 = arith.index_cast %swap3A_144 : i32 to index
    %swap3A_146 = arith.constant 0 : index
    %swap3A_147 = tpu.vector_load %arg9[%swap3A_145, %swap3A_146] {strides = array<i32>} : memref<4x128xf32, #tpu.memory_space<vmem>>, vector<16xf32>,
    tpu.vector_store %arg9[%swap3A_145, %swap3A_146], %gather3A_143 {strides = array<i32>} : memref<4x128xf32, #tpu.memory_space<vmem>>, vector<16xf32>,
    %add3A_148 = arith.constant 16 : i32
    %add3A_149 = vector.broadcast %add3A_148 : i32 to vector<16xi32>
    %add3A_150 = arith.addi %iota3A, %add3A_149 : vector<16xi32>
    %get3A_151 = arith.constant 1 : i32
    %get3A_152 = arith.index_cast %get3A_151 : i32 to index
    %get3A_153 = arith.constant 16 : index
    %get3A_154 = tpu.vector_load %arg7[%get3A_152, %get3A_153] {strides = array<i32>} : memref<4x128xi32, #tpu.memory_space<vmem>>, vector<16xi32>,
    %gather3A_155 = tpu.vector_load_idx %arg8[%add3A_150, %get3A_154] : memref<64x1024xf32, #tpu.memory_space<vmem>>[vector<16xi32>, vector<16xi32>], vector<16xf32>,
    %swap3A_156 = arith.constant 1 : i32
    %swap3A_157 = arith.index_cast %swap3A_156 : i32 to index
    %swap3A_158 = arith.constant 16 : index
    %swap3A_159 = tpu.vector_load %arg9[%swap3A_157, %swap3A_158] {strides = array<i32>} : memref<4x128xf32, #tpu.memory_space<vmem>>, vector<16xf32>,
    tpu.vector_store %arg9[%swap3A_157, %swap3A_158], %gather3A_155 {strides = array<i32>} : memref<4x128xf32, #tpu.memory_space<vmem>>, vector<16xf32>,
    %add3A_160 = arith.constant 32 : i32
    %add3A_161 = vector.broadcast %add3A_160 : i32 to vector<16xi32>
    %add3A_162 = arith.addi %iota3A, %add3A_161 : vector<16xi32>
    %get3A_163 = arith.constant 1 : i32
    %get3A_164 = arith.index_cast %get3A_163 : i32 to index
    %get3A_165 = arith.constant 32 : index
    %get3A_166 = tpu.vector_load %arg7[%get3A_164, %get3A_165] {strides = array<i32>} : memref<4x128xi32, #tpu.memory_space<vmem>>, vector<16xi32>,
    %gather3A_167 = tpu.vector_load_idx %arg8[%add3A_162, %get3A_166] : memref<64x1024xf32, #tpu.memory_space<vmem>>[vector<16xi32>, vector<16xi32>], vector<16xf32>,
    %swap3A_168 = arith.constant 1 : i32
    %swap3A_169 = arith.index_cast %swap3A_168 : i32 to index
    %swap3A_170 = arith.constant 32 : index
    %swap3A_171 = tpu.vector_load %arg9[%swap3A_169, %swap3A_170] {strides = array<i32>} : memref<4x128xf32, #tpu.memory_space<vmem>>, vector<16xf32>,
    tpu.vector_store %arg9[%swap3A_169, %swap3A_170], %gather3A_167 {strides = array<i32>} : memref<4x128xf32, #tpu.memory_space<vmem>>, vector<16xf32>,
    %add3A_172 = arith.constant 48 : i32
    %add3A_173 = vector.broadcast %add3A_172 : i32 to vector<16xi32>
    %add3A_174 = arith.addi %iota3A, %add3A_173 : vector<16xi32>
    %get3A_175 = arith.constant 1 : i32
    %get3A_176 = arith.index_cast %get3A_175 : i32 to index
    %get3A_177 = arith.constant 48 : index
    %get3A_178 = tpu.vector_load %arg7[%get3A_176, %get3A_177] {strides = array<i32>} : memref<4x128xi32, #tpu.memory_space<vmem>>, vector<16xi32>,
    %gather3A_179 = tpu.vector_load_idx %arg8[%add3A_174, %get3A_178] : memref<64x1024xf32, #tpu.memory_space<vmem>>[vector<16xi32>, vector<16xi32>], vector<16xf32>,
    %swap3A_180 = arith.constant 1 : i32
    %swap3A_181 = arith.index_cast %swap3A_180 : i32 to index
    %swap3A_182 = arith.constant 48 : index
    %swap3A_183 = tpu.vector_load %arg9[%swap3A_181, %swap3A_182] {strides = array<i32>} : memref<4x128xf32, #tpu.memory_space<vmem>>, vector<16xf32>,
    tpu.vector_store %arg9[%swap3A_181, %swap3A_182], %gather3A_179 {strides = array<i32>} : memref<4x128xf32, #tpu.memory_space<vmem>>, vector<16xf32>,
    %dma_start3A_184 = arith.constant 1 : i32
    %dma_start3A_185 = arith.constant 64 : i32
    %dma_start3A_186 = tpu.memref_slice %arg6[%dma_start3A_184, %dma_start3A_185] : memref<4x128xi32, #tpu.memory_space<vmem>> -> memref<1x64xi32, #tpu.memory_space<vmem>>
    %dma_start3A_187 = tpu.memref_squeeze %dma_start3A_186 : memref<1x64xi32, #tpu.memory_space<vmem>> -> memref<64xi32, #tpu.memory_space<vmem>>
    %dma_start3A_188 = arith.constant 0 : i32
    %dma_start3A_189 = arith.constant 0 : i32
    %dma_start3A_190 = tpu.memref_slice %arg4[%dma_start3A_188, %dma_start3A_189] : memref<100000x1024xf32, #tpu.memory_space<hbm>> -> memref<100000x1024xf32, #tpu.memory_space<hbm>>
    tpu.enqueue_indirect_dma source(%dma_start3A_190 : memref<100000x1024xf32, #tpu.memory_space<hbm>>) target(%arg8 : memref<64x1024xf32, #tpu.memory_space<vmem>>) offsets(%dma_start3A_187 : memref<64xi32, #tpu.memory_space<vmem>>) semaphore(%arg10 : memref<!tpu.dma_semaphore, #tpu.memory_space<semaphore_mem>>)
    %dma_wait3A_191 = arith.constant 1 : i32
    %dma_wait3A_192 = arith.constant 64 : i32
    %dma_wait3A_193 = tpu.memref_slice %arg6[%dma_wait3A_191, %dma_wait3A_192] : memref<4x128xi32, #tpu.memory_space<vmem>> -> memref<1x64xi32, #tpu.memory_space<vmem>>
    %dma_wait3A_194 = tpu.memref_squeeze %dma_wait3A_193 : memref<1x64xi32, #tpu.memory_space<vmem>> -> memref<64xi32, #tpu.memory_space<vmem>>
    %dma_wait3A_195 = arith.constant 0 : i32
    %dma_wait3A_196 = arith.constant 0 : i32
    %dma_wait3A_197 = tpu.memref_slice %arg4[%dma_wait3A_195, %dma_wait3A_196] : memref<100000x1024xf32, #tpu.memory_space<hbm>> -> memref<100000x1024xf32, #tpu.memory_space<hbm>>
    tpu.wait_indirect_dma semaphore(%arg10 : memref<!tpu.dma_semaphore, #tpu.memory_space<semaphore_mem>>) src(%dma_wait3A_197 : memref<100000x1024xf32, #tpu.memory_space<hbm>>) dst(%arg8 : memref<64x1024xf32, #tpu.memory_space<vmem>>)
    %add3A_198 = arith.constant 0 : i32
    %add3A_199 = vector.broadcast %add3A_198 : i32 to vector<16xi32>
    %add3A_200 = arith.addi %iota3A, %add3A_199 : vector<16xi32>
    %get3A_201 = arith.constant 1 : i32
    %get3A_202 = arith.index_cast %get3A_201 : i32 to index
    %get3A_203 = arith.constant 64 : index
    %get3A_204 = tpu.vector_load %arg7[%get3A_202, %get3A_203] {strides = array<i32>} : memref<4x128xi32, #tpu.memory_space<vmem>>, vector<16xi32>,
    %gather3A_205 = tpu.vector_load_idx %arg8[%add3A_200, %get3A_204] : memref<64x1024xf32, #tpu.memory_space<vmem>>[vector<16xi32>, vector<16xi32>], vector<16xf32>,
    %swap3A_206 = arith.constant 1 : i32
    %swap3A_207 = arith.index_cast %swap3A_206 : i32 to index
    %swap3A_208 = arith.constant 64 : index
    %swap3A_209 = tpu.vector_load %arg9[%swap3A_207, %swap3A_208] {strides = array<i32>} : memref<4x128xf32, #tpu.memory_space<vmem>>, vector<16xf32>,
    tpu.vector_store %arg9[%swap3A_207, %swap3A_208], %gather3A_205 {strides = array<i32>} : memref<4x128xf32, #tpu.memory_space<vmem>>, vector<16xf32>,
    %add3A_210 = arith.constant 16 : i32
    %add3A_211 = vector.broadcast %add3A_210 : i32 to vector<16xi32>
    %add3A_212 = arith.addi %iota3A, %add3A_211 : vector<16xi32>
    %get3A_213 = arith.constant 1 : i32
    %get3A_214 = arith.index_cast %get3A_213 : i32 to index
    %get3A_215 = arith.constant 80 : index
    %get3A_216 = tpu.vector_load %arg7[%get3A_214, %get3A_215] {strides = array<i32>} : memref<4x128xi32, #tpu.memory_space<vmem>>, vector<16xi32>,
    %gather3A_217 = tpu.vector_load_idx %arg8[%add3A_212, %get3A_216] : memref<64x1024xf32, #tpu.memory_space<vmem>>[vector<16xi32>, vector<16xi32>], vector<16xf32>,
    %swap3A_218 = arith.constant 1 : i32
    %swap3A_219 = arith.index_cast %swap3A_218 : i32 to index
    %swap3A_220 = arith.constant 80 : index
    %swap3A_221 = tpu.vector_load %arg9[%swap3A_219, %swap3A_220] {strides = array<i32>} : memref<4x128xf32, #tpu.memory_space<vmem>>, vector<16xf32>,
    tpu.vector_store %arg9[%swap3A_219, %swap3A_220], %gather3A_217 {strides = array<i32>} : memref<4x128xf32, #tpu.memory_space<vmem>>, vector<16xf32>,
    %add3A_222 = arith.constant 32 : i32
    %add3A_223 = vector.broadcast %add3A_222 : i32 to vector<16xi32>
    %add3A_224 = arith.addi %iota3A, %add3A_223 : vector<16xi32>
    %get3A_225 = arith.constant 1 : i32
    %get3A_226 = arith.index_cast %get3A_225 : i32 to index
    %get3A_227 = arith.constant 96 : index
    %get3A_228 = tpu.vector_load %arg7[%get3A_226, %get3A_227] {strides = array<i32>} : memref<4x128xi32, #tpu.memory_space<vmem>>, vector<16xi32>,
    %gather3A_229 = tpu.vector_load_idx %arg8[%add3A_224, %get3A_228] : memref<64x1024xf32, #tpu.memory_space<vmem>>[vector<16xi32>, vector<16xi32>], vector<16xf32>,
    %swap3A_230 = arith.constant 1 : i32
    %swap3A_231 = arith.index_cast %swap3A_230 : i32 to index
    %swap3A_232 = arith.constant 96 : index
    %swap3A_233 = tpu.vector_load %arg9[%swap3A_231, %swap3A_232] {strides = array<i32>} : memref<4x128xf32, #tpu.memory_space<vmem>>, vector<16xf32>,
    tpu.vector_store %arg9[%swap3A_231, %swap3A_232], %gather3A_229 {strides = array<i32>} : memref<4x128xf32, #tpu.memory_space<vmem>>, vector<16xf32>,
    %add3A_234 = arith.constant 48 : i32
    %add3A_235 = vector.broadcast %add3A_234 : i32 to vector<16xi32>
    %add3A_236 = arith.addi %iota3A, %add3A_235 : vector<16xi32>
    %get3A_237 = arith.constant 1 : i32
    %get3A_238 = arith.index_cast %get3A_237 : i32 to index
    %get3A_239 = arith.constant 112 : index
    %get3A_240 = tpu.vector_load %arg7[%get3A_238, %get3A_239] {strides = array<i32>} : memref<4x128xi32, #tpu.memory_space<vmem>>, vector<16xi32>,
    %gather3A_241 = tpu.vector_load_idx %arg8[%add3A_236, %get3A_240] : memref<64x1024xf32, #tpu.memory_space<vmem>>[vector<16xi32>, vector<16xi32>], vector<16xf32>,
    %swap3A_242 = arith.constant 1 : i32
    %swap3A_243 = arith.index_cast %swap3A_242 : i32 to index
    %swap3A_244 = arith.constant 112 : index
    %swap3A_245 = tpu.vector_load %arg9[%swap3A_243, %swap3A_244] {strides = array<i32>} : memref<4x128xf32, #tpu.memory_space<vmem>>, vector<16xf32>,
    tpu.vector_store %arg9[%swap3A_243, %swap3A_244], %gather3A_241 {strides = array<i32>} : memref<4x128xf32, #tpu.memory_space<vmem>>, vector<16xf32>,
    %dma_start3A_246 = arith.constant 2 : i32
    %dma_start3A_247 = arith.constant 0 : i32
    %dma_start3A_248 = tpu.memref_slice %arg6[%dma_start3A_246, %dma_start3A_247] : memref<4x128xi32, #tpu.memory_space<vmem>> -> memref<1x64xi32, #tpu.memory_space<vmem>>
    %dma_start3A_249 = tpu.memref_squeeze %dma_start3A_248 : memref<1x64xi32, #tpu.memory_space<vmem>> -> memref<64xi32, #tpu.memory_space<vmem>>
    %dma_start3A_250 = arith.constant 0 : i32
    %dma_start3A_251 = arith.constant 0 : i32
    %dma_start3A_252 = tpu.memref_slice %arg4[%dma_start3A_250, %dma_start3A_251] : memref<100000x1024xf32, #tpu.memory_space<hbm>> -> memref<100000x1024xf32, #tpu.memory_space<hbm>>
    tpu.enqueue_indirect_dma source(%dma_start3A_252 : memref<100000x1024xf32, #tpu.memory_space<hbm>>) target(%arg8 : memref<64x1024xf32, #tpu.memory_space<vmem>>) offsets(%dma_start3A_249 : memref<64xi32, #tpu.memory_space<vmem>>) semaphore(%arg10 : memref<!tpu.dma_semaphore, #tpu.memory_space<semaphore_mem>>)
    %dma_wait3A_253 = arith.constant 2 : i32
    %dma_wait3A_254 = arith.constant 0 : i32
    %dma_wait3A_255 = tpu.memref_slice %arg6[%dma_wait3A_253, %dma_wait3A_254] : memref<4x128xi32, #tpu.memory_space<vmem>> -> memref<1x64xi32, #tpu.memory_space<vmem>>
    %dma_wait3A_256 = tpu.memref_squeeze %dma_wait3A_255 : memref<1x64xi32, #tpu.memory_space<vmem>> -> memref<64xi32, #tpu.memory_space<vmem>>
    %dma_wait3A_257 = arith.constant 0 : i32
    %dma_wait3A_258 = arith.constant 0 : i32
    %dma_wait3A_259 = tpu.memref_slice %arg4[%dma_wait3A_257, %dma_wait3A_258] : memref<100000x1024xf32, #tpu.memory_space<hbm>> -> memref<100000x1024xf32, #tpu.memory_space<hbm>>
    tpu.wait_indirect_dma semaphore(%arg10 : memref<!tpu.dma_semaphore, #tpu.memory_space<semaphore_mem>>) src(%dma_wait3A_259 : memref<100000x1024xf32, #tpu.memory_space<hbm>>) dst(%arg8 : memref<64x1024xf32, #tpu.memory_space<vmem>>)
    %add3A_260 = arith.constant 0 : i32
    %add3A_261 = vector.broadcast %add3A_260 : i32 to vector<16xi32>
    %add3A_262 = arith.addi %iota3A, %add3A_261 : vector<16xi32>
    %get3A_263 = arith.constant 2 : i32
    %get3A_264 = arith.index_cast %get3A_263 : i32 to index
    %get3A_265 = arith.constant 0 : index
    %get3A_266 = tpu.vector_load %arg7[%get3A_264, %get3A_265] {strides = array<i32>} : memref<4x128xi32, #tpu.memory_space<vmem>>, vector<16xi32>,
    %gather3A_267 = tpu.vector_load_idx %arg8[%add3A_262, %get3A_266] : memref<64x1024xf32, #tpu.memory_space<vmem>>[vector<16xi32>, vector<16xi32>], vector<16xf32>,
    %swap3A_268 = arith.constant 2 : i32
    %swap3A_269 = arith.index_cast %swap3A_268 : i32 to index
    %swap3A_270 = arith.constant 0 : index
    %swap3A_271 = tpu.vector_load %arg9[%swap3A_269, %swap3A_270] {strides = array<i32>} : memref<4x128xf32, #tpu.memory_space<vmem>>, vector<16xf32>,
    tpu.vector_store %arg9[%swap3A_269, %swap3A_270], %gather3A_267 {strides = array<i32>} : memref<4x128xf32, #tpu.memory_space<vmem>>, vector<16xf32>,
    %add3A_272 = arith.constant 16 : i32
    %add3A_273 = vector.broadcast %add3A_272 : i32 to vector<16xi32>
    %add3A_274 = arith.addi %iota3A, %add3A_273 : vector<16xi32>
    %get3A_275 = arith.constant 2 : i32
    %get3A_276 = arith.index_cast %get3A_275 : i32 to index
    %get3A_277 = arith.constant 16 : index
    %get3A_278 = tpu.vector_load %arg7[%get3A_276, %get3A_277] {strides = array<i32>} : memref<4x128xi32, #tpu.memory_space<vmem>>, vector<16xi32>,
    %gather3A_279 = tpu.vector_load_idx %arg8[%add3A_274, %get3A_278] : memref<64x1024xf32, #tpu.memory_space<vmem>>[vector<16xi32>, vector<16xi32>], vector<16xf32>,
    %swap3A_280 = arith.constant 2 : i32
    %swap3A_281 = arith.index_cast %swap3A_280 : i32 to index
    %swap3A_282 = arith.constant 16 : index
    %swap3A_283 = tpu.vector_load %arg9[%swap3A_281, %swap3A_282] {strides = array<i32>} : memref<4x128xf32, #tpu.memory_space<vmem>>, vector<16xf32>,
    tpu.vector_store %arg9[%swap3A_281, %swap3A_282], %gather3A_279 {strides = array<i32>} : memref<4x128xf32, #tpu.memory_space<vmem>>, vector<16xf32>,
    %add3A_284 = arith.constant 32 : i32
    %add3A_285 = vector.broadcast %add3A_284 : i32 to vector<16xi32>
    %add3A_286 = arith.addi %iota3A, %add3A_285 : vector<16xi32>
    %get3A_287 = arith.constant 2 : i32
    %get3A_288 = arith.index_cast %get3A_287 : i32 to index
    %get3A_289 = arith.constant 32 : index
    %get3A_290 = tpu.vector_load %arg7[%get3A_288, %get3A_289] {strides = array<i32>} : memref<4x128xi32, #tpu.memory_space<vmem>>, vector<16xi32>,
    %gather3A_291 = tpu.vector_load_idx %arg8[%add3A_286, %get3A_290] : memref<64x1024xf32, #tpu.memory_space<vmem>>[vector<16xi32>, vector<16xi32>], vector<16xf32>,
    %swap3A_292 = arith.constant 2 : i32
    %swap3A_293 = arith.index_cast %swap3A_292 : i32 to index
    %swap3A_294 = arith.constant 32 : index
    %swap3A_295 = tpu.vector_load %arg9[%swap3A_293, %swap3A_294] {strides = array<i32>} : memref<4x128xf32, #tpu.memory_space<vmem>>, vector<16xf32>,
    tpu.vector_store %arg9[%swap3A_293, %swap3A_294], %gather3A_291 {strides = array<i32>} : memref<4x128xf32, #tpu.memory_space<vmem>>, vector<16xf32>,
    %add3A_296 = arith.constant 48 : i32
    %add3A_297 = vector.broadcast %add3A_296 : i32 to vector<16xi32>
    %add3A_298 = arith.addi %iota3A, %add3A_297 : vector<16xi32>
    %get3A_299 = arith.constant 2 : i32
    %get3A_300 = arith.index_cast %get3A_299 : i32 to index
    %get3A_301 = arith.constant 48 : index
    %get3A_302 = tpu.vector_load %arg7[%get3A_300, %get3A_301] {strides = array<i32>} : memref<4x128xi32, #tpu.memory_space<vmem>>, vector<16xi32>,
    %gather3A_303 = tpu.vector_load_idx %arg8[%add3A_298, %get3A_302] : memref<64x1024xf32, #tpu.memory_space<vmem>>[vector<16xi32>, vector<16xi32>], vector<16xf32>,
    %swap3A_304 = arith.constant 2 : i32
    %swap3A_305 = arith.index_cast %swap3A_304 : i32 to index
    %swap3A_306 = arith.constant 48 : index
    %swap3A_307 = tpu.vector_load %arg9[%swap3A_305, %swap3A_306] {strides = array<i32>} : memref<4x128xf32, #tpu.memory_space<vmem>>, vector<16xf32>,
    tpu.vector_store %arg9[%swap3A_305, %swap3A_306], %gather3A_303 {strides = array<i32>} : memref<4x128xf32, #tpu.memory_space<vmem>>, vector<16xf32>,
    %dma_start3A_308 = arith.constant 2 : i32
    %dma_start3A_309 = arith.constant 64 : i32
    %dma_start3A_310 = tpu.memref_slice %arg6[%dma_start3A_308, %dma_start3A_309] : memref<4x128xi32, #tpu.memory_space<vmem>> -> memref<1x64xi32, #tpu.memory_space<vmem>>
    %dma_start3A_311 = tpu.memref_squeeze %dma_start3A_310 : memref<1x64xi32, #tpu.memory_space<vmem>> -> memref<64xi32, #tpu.memory_space<vmem>>
    %dma_start3A_312 = arith.constant 0 : i32
    %dma_start3A_313 = arith.constant 0 : i32
    %dma_start3A_314 = tpu.memref_slice %arg4[%dma_start3A_312, %dma_start3A_313] : memref<100000x1024xf32, #tpu.memory_space<hbm>> -> memref<100000x1024xf32, #tpu.memory_space<hbm>>
    tpu.enqueue_indirect_dma source(%dma_start3A_314 : memref<100000x1024xf32, #tpu.memory_space<hbm>>) target(%arg8 : memref<64x1024xf32, #tpu.memory_space<vmem>>) offsets(%dma_start3A_311 : memref<64xi32, #tpu.memory_space<vmem>>) semaphore(%arg10 : memref<!tpu.dma_semaphore, #tpu.memory_space<semaphore_mem>>)
    %dma_wait3A_315 = arith.constant 2 : i32
    %dma_wait3A_316 = arith.constant 64 : i32
    %dma_wait3A_317 = tpu.memref_slice %arg6[%dma_wait3A_315, %dma_wait3A_316] : memref<4x128xi32, #tpu.memory_space<vmem>> -> memref<1x64xi32, #tpu.memory_space<vmem>>
    %dma_wait3A_318 = tpu.memref_squeeze %dma_wait3A_317 : memref<1x64xi32, #tpu.memory_space<vmem>> -> memref<64xi32, #tpu.memory_space<vmem>>
    %dma_wait3A_319 = arith.constant 0 : i32
    %dma_wait3A_320 = arith.constant 0 : i32
    %dma_wait3A_321 = tpu.memref_slice %arg4[%dma_wait3A_319, %dma_wait3A_320] : memref<100000x1024xf32, #tpu.memory_space<hbm>> -> memref<100000x1024xf32, #tpu.memory_space<hbm>>
    tpu.wait_indirect_dma semaphore(%arg10 : memref<!tpu.dma_semaphore, #tpu.memory_space<semaphore_mem>>) src(%dma_wait3A_321 : memref<100000x1024xf32, #tpu.memory_space<hbm>>) dst(%arg8 : memref<64x1024xf32, #tpu.memory_space<vmem>>)
    %add3A_322 = arith.constant 0 : i32
    %add3A_323 = vector.broadcast %add3A_322 : i32 to vector<16xi32>
    %add3A_324 = arith.addi %iota3A, %add3A_323 : vector<16xi32>
    %get3A_325 = arith.constant 2 : i32
    %get3A_326 = arith.index_cast %get3A_325 : i32 to index
    %get3A_327 = arith.constant 64 : index
    %get3A_328 = tpu.vector_load %arg7[%get3A_326, %get3A_327] {strides = array<i32>} : memref<4x128xi32, #tpu.memory_space<vmem>>, vector<16xi32>,
    %gather3A_329 = tpu.vector_load_idx %arg8[%add3A_324, %get3A_328] : memref<64x1024xf32, #tpu.memory_space<vmem>>[vector<16xi32>, vector<16xi32>], vector<16xf32>,
    %swap3A_330 = arith.constant 2 : i32
    %swap3A_331 = arith.index_cast %swap3A_330 : i32 to index
    %swap3A_332 = arith.constant 64 : index
    %swap3A_333 = tpu.vector_load %arg9[%swap3A_331, %swap3A_332] {strides = array<i32>} : memref<4x128xf32, #tpu.memory_space<vmem>>, vector<16xf32>,
    tpu.vector_store %arg9[%swap3A_331, %swap3A_332], %gather3A_329 {strides = array<i32>} : memref<4x128xf32, #tpu.memory_space<vmem>>, vector<16xf32>,
    %add3A_334 = arith.constant 16 : i32
    %add3A_335 = vector.broadcast %add3A_334 : i32 to vector<16xi32>
    %add3A_336 = arith.addi %iota3A, %add3A_335 : vector<16xi32>
    %get3A_337 = arith.constant 2 : i32
    %get3A_338 = arith.index_cast %get3A_337 : i32 to index
    %get3A_339 = arith.constant 80 : index
    %get3A_340 = tpu.vector_load %arg7[%get3A_338, %get3A_339] {strides = array<i32>} : memref<4x128xi32, #tpu.memory_space<vmem>>, vector<16xi32>,
    %gather3A_341 = tpu.vector_load_idx %arg8[%add3A_336, %get3A_340] : memref<64x1024xf32, #tpu.memory_space<vmem>>[vector<16xi32>, vector<16xi32>], vector<16xf32>,
    %swap3A_342 = arith.constant 2 : i32
    %swap3A_343 = arith.index_cast %swap3A_342 : i32 to index
    %swap3A_344 = arith.constant 80 : index
    %swap3A_345 = tpu.vector_load %arg9[%swap3A_343, %swap3A_344] {strides = array<i32>} : memref<4x128xf32, #tpu.memory_space<vmem>>, vector<16xf32>,
    tpu.vector_store %arg9[%swap3A_343, %swap3A_344], %gather3A_341 {strides = array<i32>} : memref<4x128xf32, #tpu.memory_space<vmem>>, vector<16xf32>,
    %add3A_346 = arith.constant 32 : i32
    %add3A_347 = vector.broadcast %add3A_346 : i32 to vector<16xi32>
    %add3A_348 = arith.addi %iota3A, %add3A_347 : vector<16xi32>
    %get3A_349 = arith.constant 2 : i32
    %get3A_350 = arith.index_cast %get3A_349 : i32 to index
    %get3A_351 = arith.constant 96 : index
    %get3A_352 = tpu.vector_load %arg7[%get3A_350, %get3A_351] {strides = array<i32>} : memref<4x128xi32, #tpu.memory_space<vmem>>, vector<16xi32>,
    %gather3A_353 = tpu.vector_load_idx %arg8[%add3A_348, %get3A_352] : memref<64x1024xf32, #tpu.memory_space<vmem>>[vector<16xi32>, vector<16xi32>], vector<16xf32>,
    %swap3A_354 = arith.constant 2 : i32
    %swap3A_355 = arith.index_cast %swap3A_354 : i32 to index
    %swap3A_356 = arith.constant 96 : index
    %swap3A_357 = tpu.vector_load %arg9[%swap3A_355, %swap3A_356] {strides = array<i32>} : memref<4x128xf32, #tpu.memory_space<vmem>>, vector<16xf32>,
    tpu.vector_store %arg9[%swap3A_355, %swap3A_356], %gather3A_353 {strides = array<i32>} : memref<4x128xf32, #tpu.memory_space<vmem>>, vector<16xf32>,
    %add3A_358 = arith.constant 48 : i32
    %add3A_359 = vector.broadcast %add3A_358 : i32 to vector<16xi32>
    %add3A_360 = arith.addi %iota3A, %add3A_359 : vector<16xi32>
    %get3A_361 = arith.constant 2 : i32
    %get3A_362 = arith.index_cast %get3A_361 : i32 to index
    %get3A_363 = arith.constant 112 : index
    %get3A_364 = tpu.vector_load %arg7[%get3A_362, %get3A_363] {strides = array<i32>} : memref<4x128xi32, #tpu.memory_space<vmem>>, vector<16xi32>,
    %gather3A_365 = tpu.vector_load_idx %arg8[%add3A_360, %get3A_364] : memref<64x1024xf32, #tpu.memory_space<vmem>>[vector<16xi32>, vector<16xi32>], vector<16xf32>,
    %swap3A_366 = arith.constant 2 : i32
    %swap3A_367 = arith.index_cast %swap3A_366 : i32 to index
    %swap3A_368 = arith.constant 112 : index
    %swap3A_369 = tpu.vector_load %arg9[%swap3A_367, %swap3A_368] {strides = array<i32>} : memref<4x128xf32, #tpu.memory_space<vmem>>, vector<16xf32>,
    tpu.vector_store %arg9[%swap3A_367, %swap3A_368], %gather3A_365 {strides = array<i32>} : memref<4x128xf32, #tpu.memory_space<vmem>>, vector<16xf32>,
    %dma_start3A_370 = arith.constant 3 : i32
    %dma_start3A_371 = arith.constant 0 : i32
    %dma_start3A_372 = tpu.memref_slice %arg6[%dma_start3A_370, %dma_start3A_371] : memref<4x128xi32, #tpu.memory_space<vmem>> -> memref<1x64xi32, #tpu.memory_space<vmem>>
    %dma_start3A_373 = tpu.memref_squeeze %dma_start3A_372 : memref<1x64xi32, #tpu.memory_space<vmem>> -> memref<64xi32, #tpu.memory_space<vmem>>
    %dma_start3A_374 = arith.constant 0 : i32
    %dma_start3A_375 = arith.constant 0 : i32
    %dma_start3A_376 = tpu.memref_slice %arg4[%dma_start3A_374, %dma_start3A_375] : memref<100000x1024xf32, #tpu.memory_space<hbm>> -> memref<100000x1024xf32, #tpu.memory_space<hbm>>
    tpu.enqueue_indirect_dma source(%dma_start3A_376 : memref<100000x1024xf32, #tpu.memory_space<hbm>>) target(%arg8 : memref<64x1024xf32, #tpu.memory_space<vmem>>) offsets(%dma_start3A_373 : memref<64xi32, #tpu.memory_space<vmem>>) semaphore(%arg10 : memref<!tpu.dma_semaphore, #tpu.memory_space<semaphore_mem>>)
    %dma_wait3A_377 = arith.constant 3 : i32
    %dma_wait3A_378 = arith.constant 0 : i32
    %dma_wait3A_379 = tpu.memref_slice %arg6[%dma_wait3A_377, %dma_wait3A_378] : memref<4x128xi32, #tpu.memory_space<vmem>> -> memref<1x64xi32, #tpu.memory_space<vmem>>
    %dma_wait3A_380 = tpu.memref_squeeze %dma_wait3A_379 : memref<1x64xi32, #tpu.memory_space<vmem>> -> memref<64xi32, #tpu.memory_space<vmem>>
    %dma_wait3A_381 = arith.constant 0 : i32
    %dma_wait3A_382 = arith.constant 0 : i32
    %dma_wait3A_383 = tpu.memref_slice %arg4[%dma_wait3A_381, %dma_wait3A_382] : memref<100000x1024xf32, #tpu.memory_space<hbm>> -> memref<100000x1024xf32, #tpu.memory_space<hbm>>
    tpu.wait_indirect_dma semaphore(%arg10 : memref<!tpu.dma_semaphore, #tpu.memory_space<semaphore_mem>>) src(%dma_wait3A_383 : memref<100000x1024xf32, #tpu.memory_space<hbm>>) dst(%arg8 : memref<64x1024xf32, #tpu.memory_space<vmem>>)
    %add3A_384 = arith.constant 0 : i32
    %add3A_385 = vector.broadcast %add3A_384 : i32 to vector<16xi32>
    %add3A_386 = arith.addi %iota3A, %add3A_385 : vector<16xi32>
    %get3A_387 = arith.constant 3 : i32
    %get3A_388 = arith.index_cast %get3A_387 : i32 to index
    %get3A_389 = arith.constant 0 : index
    %get3A_390 = tpu.vector_load %arg7[%get3A_388, %get3A_389] {strides = array<i32>} : memref<4x128xi32, #tpu.memory_space<vmem>>, vector<16xi32>,
    %gather3A_391 = tpu.vector_load_idx %arg8[%add3A_386, %get3A_390] : memref<64x1024xf32, #tpu.memory_space<vmem>>[vector<16xi32>, vector<16xi32>], vector<16xf32>,
    %swap3A_392 = arith.constant 3 : i32
    %swap3A_393 = arith.index_cast %swap3A_392 : i32 to index
    %swap3A_394 = arith.constant 0 : index
    %swap3A_395 = tpu.vector_load %arg9[%swap3A_393, %swap3A_394] {strides = array<i32>} : memref<4x128xf32, #tpu.memory_space<vmem>>, vector<16xf32>,
    tpu.vector_store %arg9[%swap3A_393, %swap3A_394], %gather3A_391 {strides = array<i32>} : memref<4x128xf32, #tpu.memory_space<vmem>>, vector<16xf32>,
    %add3A_396 = arith.constant 16 : i32
    %add3A_397 = vector.broadcast %add3A_396 : i32 to vector<16xi32>
    %add3A_398 = arith.addi %iota3A, %add3A_397 : vector<16xi32>
    %get3A_399 = arith.constant 3 : i32
    %get3A_400 = arith.index_cast %get3A_399 : i32 to index
    %get3A_401 = arith.constant 16 : index
    %get3A_402 = tpu.vector_load %arg7[%get3A_400, %get3A_401] {strides = array<i32>} : memref<4x128xi32, #tpu.memory_space<vmem>>, vector<16xi32>,
    %gather3A_403 = tpu.vector_load_idx %arg8[%add3A_398, %get3A_402] : memref<64x1024xf32, #tpu.memory_space<vmem>>[vector<16xi32>, vector<16xi32>], vector<16xf32>,
    %swap3A_404 = arith.constant 3 : i32
    %swap3A_405 = arith.index_cast %swap3A_404 : i32 to index
    %swap3A_406 = arith.constant 16 : index
    %swap3A_407 = tpu.vector_load %arg9[%swap3A_405, %swap3A_406] {strides = array<i32>} : memref<4x128xf32, #tpu.memory_space<vmem>>, vector<16xf32>,
    tpu.vector_store %arg9[%swap3A_405, %swap3A_406], %gather3A_403 {strides = array<i32>} : memref<4x128xf32, #tpu.memory_space<vmem>>, vector<16xf32>,
    %add3A_408 = arith.constant 32 : i32
    %add3A_409 = vector.broadcast %add3A_408 : i32 to vector<16xi32>
    %add3A_410 = arith.addi %iota3A, %add3A_409 : vector<16xi32>
    %get3A_411 = arith.constant 3 : i32
    %get3A_412 = arith.index_cast %get3A_411 : i32 to index
    %get3A_413 = arith.constant 32 : index
    %get3A_414 = tpu.vector_load %arg7[%get3A_412, %get3A_413] {strides = array<i32>} : memref<4x128xi32, #tpu.memory_space<vmem>>, vector<16xi32>,
    %gather3A_415 = tpu.vector_load_idx %arg8[%add3A_410, %get3A_414] : memref<64x1024xf32, #tpu.memory_space<vmem>>[vector<16xi32>, vector<16xi32>], vector<16xf32>,
    %swap3A_416 = arith.constant 3 : i32
    %swap3A_417 = arith.index_cast %swap3A_416 : i32 to index
    %swap3A_418 = arith.constant 32 : index
    %swap3A_419 = tpu.vector_load %arg9[%swap3A_417, %swap3A_418] {strides = array<i32>} : memref<4x128xf32, #tpu.memory_space<vmem>>, vector<16xf32>,
    tpu.vector_store %arg9[%swap3A_417, %swap3A_418], %gather3A_415 {strides = array<i32>} : memref<4x128xf32, #tpu.memory_space<vmem>>, vector<16xf32>,
    %add3A_420 = arith.constant 48 : i32
    %add3A_421 = vector.broadcast %add3A_420 : i32 to vector<16xi32>
    %add3A_422 = arith.addi %iota3A, %add3A_421 : vector<16xi32>
    %get3A_423 = arith.constant 3 : i32
    %get3A_424 = arith.index_cast %get3A_423 : i32 to index
    %get3A_425 = arith.constant 48 : index
    %get3A_426 = tpu.vector_load %arg7[%get3A_424, %get3A_425] {strides = array<i32>} : memref<4x128xi32, #tpu.memory_space<vmem>>, vector<16xi32>,
    %gather3A_427 = tpu.vector_load_idx %arg8[%add3A_422, %get3A_426] : memref<64x1024xf32, #tpu.memory_space<vmem>>[vector<16xi32>, vector<16xi32>], vector<16xf32>,
    %swap3A_428 = arith.constant 3 : i32
    %swap3A_429 = arith.index_cast %swap3A_428 : i32 to index
    %swap3A_430 = arith.constant 48 : index
    %swap3A_431 = tpu.vector_load %arg9[%swap3A_429, %swap3A_430] {strides = array<i32>} : memref<4x128xf32, #tpu.memory_space<vmem>>, vector<16xf32>,
    tpu.vector_store %arg9[%swap3A_429, %swap3A_430], %gather3A_427 {strides = array<i32>} : memref<4x128xf32, #tpu.memory_space<vmem>>, vector<16xf32>,
    %dma_start3A_432 = arith.constant 3 : i32
    %dma_start3A_433 = arith.constant 64 : i32
    %dma_start3A_434 = tpu.memref_slice %arg6[%dma_start3A_432, %dma_start3A_433] : memref<4x128xi32, #tpu.memory_space<vmem>> -> memref<1x64xi32, #tpu.memory_space<vmem>>
    %dma_start3A_435 = tpu.memref_squeeze %dma_start3A_434 : memref<1x64xi32, #tpu.memory_space<vmem>> -> memref<64xi32, #tpu.memory_space<vmem>>
    %dma_start3A_436 = arith.constant 0 : i32
    %dma_start3A_437 = arith.constant 0 : i32
    %dma_start3A_438 = tpu.memref_slice %arg4[%dma_start3A_436, %dma_start3A_437] : memref<100000x1024xf32, #tpu.memory_space<hbm>> -> memref<100000x1024xf32, #tpu.memory_space<hbm>>
    tpu.enqueue_indirect_dma source(%dma_start3A_438 : memref<100000x1024xf32, #tpu.memory_space<hbm>>) target(%arg8 : memref<64x1024xf32, #tpu.memory_space<vmem>>) offsets(%dma_start3A_435 : memref<64xi32, #tpu.memory_space<vmem>>) semaphore(%arg10 : memref<!tpu.dma_semaphore, #tpu.memory_space<semaphore_mem>>)
    %dma_wait3A_439 = arith.constant 3 : i32
    %dma_wait3A_440 = arith.constant 64 : i32
    %dma_wait3A_441 = tpu.memref_slice %arg6[%dma_wait3A_439, %dma_wait3A_440] : memref<4x128xi32, #tpu.memory_space<vmem>> -> memref<1x64xi32, #tpu.memory_space<vmem>>
    %dma_wait3A_442 = tpu.memref_squeeze %dma_wait3A_441 : memref<1x64xi32, #tpu.memory_space<vmem>> -> memref<64xi32, #tpu.memory_space<vmem>>
    %dma_wait3A_443 = arith.constant 0 : i32
    %dma_wait3A_444 = arith.constant 0 : i32
    %dma_wait3A_445 = tpu.memref_slice %arg4[%dma_wait3A_443, %dma_wait3A_444] : memref<100000x1024xf32, #tpu.memory_space<hbm>> -> memref<100000x1024xf32, #tpu.memory_space<hbm>>
    tpu.wait_indirect_dma semaphore(%arg10 : memref<!tpu.dma_semaphore, #tpu.memory_space<semaphore_mem>>) src(%dma_wait3A_445 : memref<100000x1024xf32, #tpu.memory_space<hbm>>) dst(%arg8 : memref<64x1024xf32, #tpu.memory_space<vmem>>)
    %add3A_446 = arith.constant 0 : i32
    %add3A_447 = vector.broadcast %add3A_446 : i32 to vector<16xi32>
    %add3A_448 = arith.addi %iota3A, %add3A_447 : vector<16xi32>
    %get3A_449 = arith.constant 3 : i32
    %get3A_450 = arith.index_cast %get3A_449 : i32 to index
    %get3A_451 = arith.constant 64 : index
    %get3A_452 = tpu.vector_load %arg7[%get3A_450, %get3A_451] {strides = array<i32>} : memref<4x128xi32, #tpu.memory_space<vmem>>, vector<16xi32>,
    %gather3A_453 = tpu.vector_load_idx %arg8[%add3A_448, %get3A_452] : memref<64x1024xf32, #tpu.memory_space<vmem>>[vector<16xi32>, vector<16xi32>], vector<16xf32>,
    %swap3A_454 = arith.constant 3 : i32
    %swap3A_455 = arith.index_cast %swap3A_454 : i32 to index
    %swap3A_456 = arith.constant 64 : index
    %swap3A_457 = tpu.vector_load %arg9[%swap3A_455, %swap3A_456] {strides = array<i32>} : memref<4x128xf32, #tpu.memory_space<vmem>>, vector<16xf32>,
    tpu.vector_store %arg9[%swap3A_455, %swap3A_456], %gather3A_453 {strides = array<i32>} : memref<4x128xf32, #tpu.memory_space<vmem>>, vector<16xf32>,
    %add3A_458 = arith.constant 16 : i32
    %add3A_459 = vector.broadcast %add3A_458 : i32 to vector<16xi32>
    %add3A_460 = arith.addi %iota3A, %add3A_459 : vector<16xi32>
    %get3A_461 = arith.constant 3 : i32
    %get3A_462 = arith.index_cast %get3A_461 : i32 to index
    %get3A_463 = arith.constant 80 : index
    %get3A_464 = tpu.vector_load %arg7[%get3A_462, %get3A_463] {strides = array<i32>} : memref<4x128xi32, #tpu.memory_space<vmem>>, vector<16xi32>,
    %gather3A_465 = tpu.vector_load_idx %arg8[%add3A_460, %get3A_464] : memref<64x1024xf32, #tpu.memory_space<vmem>>[vector<16xi32>, vector<16xi32>], vector<16xf32>,
    %swap3A_466 = arith.constant 3 : i32
    %swap3A_467 = arith.index_cast %swap3A_466 : i32 to index
    %swap3A_468 = arith.constant 80 : index
    %swap3A_469 = tpu.vector_load %arg9[%swap3A_467, %swap3A_468] {strides = array<i32>} : memref<4x128xf32, #tpu.memory_space<vmem>>, vector<16xf32>,
    tpu.vector_store %arg9[%swap3A_467, %swap3A_468], %gather3A_465 {strides = array<i32>} : memref<4x128xf32, #tpu.memory_space<vmem>>, vector<16xf32>,
    %add3A_470 = arith.constant 32 : i32
    %add3A_471 = vector.broadcast %add3A_470 : i32 to vector<16xi32>
    %add3A_472 = arith.addi %iota3A, %add3A_471 : vector<16xi32>
    %get3A_473 = arith.constant 3 : i32
    %get3A_474 = arith.index_cast %get3A_473 : i32 to index
    %get3A_475 = arith.constant 96 : index
    %get3A_476 = tpu.vector_load %arg7[%get3A_474, %get3A_475] {strides = array<i32>} : memref<4x128xi32, #tpu.memory_space<vmem>>, vector<16xi32>,
    %gather3A_477 = tpu.vector_load_idx %arg8[%add3A_472, %get3A_476] : memref<64x1024xf32, #tpu.memory_space<vmem>>[vector<16xi32>, vector<16xi32>], vector<16xf32>,
    %swap3A_478 = arith.constant 3 : i32
    %swap3A_479 = arith.index_cast %swap3A_478 : i32 to index
    %swap3A_480 = arith.constant 96 : index
    %swap3A_481 = tpu.vector_load %arg9[%swap3A_479, %swap3A_480] {strides = array<i32>} : memref<4x128xf32, #tpu.memory_space<vmem>>, vector<16xf32>,
    tpu.vector_store %arg9[%swap3A_479, %swap3A_480], %gather3A_477 {strides = array<i32>} : memref<4x128xf32, #tpu.memory_space<vmem>>, vector<16xf32>,
    %add3A_482 = arith.constant 48 : i32
    %add3A_483 = vector.broadcast %add3A_482 : i32 to vector<16xi32>
    %add3A_484 = arith.addi %iota3A, %add3A_483 : vector<16xi32>
    %get3A_485 = arith.constant 3 : i32
    %get3A_486 = arith.index_cast %get3A_485 : i32 to index
    %get3A_487 = arith.constant 112 : index
    %get3A_488 = tpu.vector_load %arg7[%get3A_486, %get3A_487] {strides = array<i32>} : memref<4x128xi32, #tpu.memory_space<vmem>>, vector<16xi32>,
    %gather3A_489 = tpu.vector_load_idx %arg8[%add3A_484, %get3A_488] : memref<64x1024xf32, #tpu.memory_space<vmem>>[vector<16xi32>, vector<16xi32>], vector<16xf32>,
    %swap3A_490 = arith.constant 3 : i32
    %swap3A_491 = arith.index_cast %swap3A_490 : i32 to index
    %swap3A_492 = arith.constant 112 : index
    %swap3A_493 = tpu.vector_load %arg9[%swap3A_491, %swap3A_492] {strides = array<i32>} : memref<4x128xf32, #tpu.memory_space<vmem>>, vector<16xf32>,
    tpu.vector_store %arg9[%swap3A_491, %swap3A_492], %gather3A_489 {strides = array<i32>} : memref<4x128xf32, #tpu.memory_space<vmem>>, vector<16xf32>,
    "tpu.region"() ({
      %run_scoped3A = tpu.sem_alloc : memref<!tpu.dma_semaphore, #tpu.memory_space<semaphore_mem>>
      %dma_start3A_494 = arith.constant 0 : i32
      %dma_start3A_495 = tpu.memref_slice %arg5[%mul3A_2, %dma_start3A_494] : memref<128x128xf32, #tpu.memory_space<hbm>> -> memref<4x128xf32, #tpu.memory_space<hbm>>
      %dma_start3A_496 = arith.constant 0 : i32
      %dma_start3A_497 = tpu.memref_slice %arg5[%mul3A_2, %dma_start3A_496] : memref<128x128xf32, #tpu.memory_space<hbm>> -> memref<4x128xf32, #tpu.memory_space<hbm>>
      tpu.enqueue_dma source(%arg9 : memref<4x128xf32, #tpu.memory_space<vmem>>) target(%dma_start3A_497 : memref<4x128xf32, #tpu.memory_space<hbm>>) target_semaphore(%run_scoped3A : memref<!tpu.dma_semaphore, #tpu.memory_space<semaphore_mem>>)
      %dma_wait3A_498 = arith.constant 0 : i32
      %dma_wait3A_499 = tpu.memref_slice %arg5[%mul3A_2, %dma_wait3A_498] : memref<128x128xf32, #tpu.memory_space<hbm>> -> memref<4x128xf32, #tpu.memory_space<hbm>>
      %dma_wait3A_500 = arith.constant 0 : i32
      %dma_wait3A_501 = tpu.memref_slice %arg5[%mul3A_2, %dma_wait3A_500] : memref<128x128xf32, #tpu.memory_space<hbm>> -> memref<4x128xf32, #tpu.memory_space<hbm>>
      tpu.wait_dma2 semaphore(%run_scoped3A : memref<!tpu.dma_semaphore, #tpu.memory_space<semaphore_mem>>) src(%arg9 : memref<4x128xf32, #tpu.memory_space<vmem>>) dst(%dma_wait3A_501 : memref<4x128xf32, #tpu.memory_space<hbm>>)
      tpu.yield
    }) : () -> ()
    return
  }
}

</mosaic_0001>

<sc_bundles>
// kernel: kernel.3.cloned.1.call-start
scs
__scs_entry_jumppad:
0x0: {  	(pc) =	sbr.rel $0x88, $3  }
0x1: {  	(tag) =	ssettag $0x0;
	lr =	simm.s32 $0x1  }
0x2: {  	[smem:$0x3F9E] =	sst lr;
	_ =	strace $0xD0000000  }
0x3: {  	_ = 	snop  }
0x4: {  	_ = 	snop  }
0x5: {  	_ = 	snop  }
0x6: {  	_ = 	snop  }
0x7: {  	_ = 	snop  }
__scs_overlays_trampoline_lowered:
0x8: {  	[smem:$0x3FAD] =	sst s0  }
0x9: {  	[smem:$0x3FAE] =	sst s1  }
0xa: {  	[smem:$0x3FAF] =	sst s2  }
0xb: {  	[smem:$0x3FB0] =	sst s3  }
0xc: {  	[smem:$0x3FB1] =	sst s4  }
0xd: {  	[smem:$0x3FB2] =	sst s5  }
0xe: {  	[smem:$0x3FB3] =	sst s6  }
0xf: {  	[smem:$0x3FB4] =	sst s7  }
0x10: {  	[smem:$0x3FB5] =	sst s8  }
0x11: {  	[smem:$0x3FB6] =	sst s9;
	s0 =	simm.s32 @!p0 $0x0  }
0x12: {  	s1 =	sld [smem:$0x3F9C];
	s0 =	simm.s32 @p0 $0x1  }
0x13: {  	[smem:$0x3FB7] =	sst s0;
	s0 =	simm.s32 @!p1 $0x0  }
0x14: {  	s2 =	sld [smem:$0x3F9B];
	s0 =	simm.s32 @p1 $0x1  }
0x15: {  	[smem:$0x3FB8] =	sst s0;
	s0 =	simm.s32 @!p2 $0x0  }
0x16: {  	s3 =	sld [smem:$0x3FDB];
	s0 =	simm.s32 @p2 $0x1  }
0x17: {  	s4 =	simm.s32 $0x1BF5;
	[smem:$0x3FBA] =	sst s0  }
0x18: {  	s0 =	sld [smem:$0x3F9D];
	_ =	swait.ge [sflag:s4], $0x0  }
0x19: {  	s7 =	sld [smem:$0x3F9E]  }
0x1a: {  	s8 =	sadd.s32 $0xFFFFE003, lr  }
0x1b: {  	s9 =	sadd.s32 $0xFFFFFEF7, lr;
	s5 =	simm.s32 $0xFFFFFFFF;
	p2 =	slt.u32 s8, $0xFFFFF086  }
0x1c: {  	p1 =	slt.u32 s9, $0xF7A;
	s5 =	simm.s32 @!p2 $0x0  }
0x1d: {  	s5 =	simm.s32 @p1 $0x1;
	p0 =	seq.s32 s7, s2  }
0x1e: {  	s7 =	smul.u32 @!p0 $0xF7A, s2;
	p2 =	seq.s32 @!p0 s5, $0x0  }
0x1f: {  	s9 =	smul.u32 $0xF7A, s1;
	s8 =	simm.s32 @!p0 $0x1BF5;
	p2 =	por !p2, p0  }
0x20: {  	[sflag:s8] =	ssyncset.s32 @!p0 $0xFFFFF086;
	s6 =	sadd.s32 @!p0 s3, s7;
	s7 =	simm.s32 @!p0 $0x108  }
0x21: {  	s3 =	sadd.s32 s3, s9;
	s6 =	sadd.s32 @!p0 $0x88, s6;
	s7 =	simm.s32 @p2 $0x1082  }
0x22: {  	[simem:s7], [sflag:s8] =	dma.local @!p0 [hbm:s6], $0xF7A  }
0x23: {  	s9 =	sor.u32 $0xD0000000, s2;
	s6 =	simm.s32 $0x108;
	_ =	swait.ge @!p0 [sflag:s8], $0x0  }
0x24: {  	s3 =	sadd.s32 $0x88, s3;
	s6 =	simm.s32 @!p1 $0x1082;
	[sflag:s4] =	ssyncset.s32 $0xFFFFF086  }
0x25: {  	[simem:s6], [sflag:s4] =	dma.local [hbm:s3], $0xF7A  }
0x26: {  	[smem:$0x3F9E] =	sst s1;
	(tag) =	ssettag s2;
	_ =	strace s9  }
0x27: {  	s1 =	sld [smem:$0x3FAE]  }
0x28: {  	s2 =	sld [smem:$0x3FAF]  }
0x29: {  	s4 =	sld [smem:$0x3FB1]  }
0x2a: {  	p0 =	seq.s32 s5, $0x0;
	s5 =	sld [smem:$0x3FB2]  }
0x2b: {  	s6 =	sld [smem:$0x3FB3]  }
0x2c: {  	s7 =	sld [smem:$0x3FB4]  }
0x2d: {  	s3 =	simm.s32 $0x108;
	s8 =	sld [smem:$0x3FB5]  }
0x2e: {  	s3 =	simm.s32 @!p0 $0x1082;
	s9 =	sld [smem:$0x3FB6]  }
0x2f: {  	lr =	sadd.s32 s0, s3;
	s0 =	sld [smem:$0x3FAD]  }
0x30: {  	s3 =	sld [smem:$0x3FB0]  }
0x31: {  	[smem:$0x3FB9] =	sst s10  }
0x32: {  	s10 =	sld [smem:$0x3FB7];
	_ =	sdelay $0x3  }
0x33: {  	p0 =	seq.s32 s10, $0x1;
	s10 =	sld [smem:$0x3FB9];
	_ =	sdelay $0x3  }
0x34: {  	[smem:$0x3FB9] =	sst s10  }
0x35: {  	s10 =	sld [smem:$0x3FB8];
	_ =	sdelay $0x3  }
0x36: {  	p1 =	seq.s32 s10, $0x1;
	s10 =	sld [smem:$0x3FB9];
	_ =	sdelay $0x3  }
0x37: {  	[smem:$0x3FB9] =	sst s10  }
0x38: {  	s10 =	sld [smem:$0x3FBA]  }
0x39: {  	_ = 	snop;
	(pc) =	sbr.ind lr, $3  }
0x3a: {  	_ = 	snop  }
0x3b: {  	_ = 	snop  }
0x3c: {  	p2 =	seq.s32 s10, $0x1;
	s10 =	sld [smem:$0x3FB9]  }
0x3d: {  	_ =	shalt  }
0x3e: {  	_ =	shalt  }
0x3f: {  	_ =	shalt  }
0x40: {  	_ =	shalt  }
0x41: {  	_ =	shalt  }
0x42: {  	_ =	shalt  }
0x43: {  	_ =	shalt  }
0x44: {  	_ =	shalt  }
0x45: {  	_ =	shalt  }
0x46: {  	_ =	shalt  }
0x47: {  	_ =	shalt  }
0x48: {  	_ =	shalt  }
0x49: {  	_ =	shalt  }
0x4a: {  	_ =	shalt  }
0x4b: {  	_ =	shalt  }
0x4c: {  	_ =	shalt  }
0x4d: {  	_ =	shalt  }
0x4e: {  	_ =	shalt  }
0x4f: {  	_ =	shalt  }
0x50: {  	_ =	shalt  }
0x51: {  	_ =	shalt  }
0x52: {  	_ =	shalt  }
0x53: {  	_ =	shalt  }
0x54: {  	_ =	shalt  }
0x55: {  	_ =	shalt  }
0x56: {  	_ =	shalt  }
0x57: {  	_ =	shalt  }
0x58: {  	_ =	shalt  }
0x59: {  	_ =	shalt  }
0x5a: {  	_ =	shalt  }
0x5b: {  	_ =	shalt  }
0x5c: {  	_ =	shalt  }
0x5d: {  	_ =	shalt  }
0x5e: {  	_ =	shalt  }
0x5f: {  	_ =	shalt  }
0x60: {  	_ =	shalt  }
0x61: {  	_ =	shalt  }
0x62: {  	_ =	shalt  }
0x63: {  	_ =	shalt  }
0x64: {  	_ =	shalt  }
0x65: {  	_ =	shalt  }
0x66: {  	_ =	shalt  }
0x67: {  	_ =	shalt  }
0x68: {  	_ =	shalt  }
0x69: {  	_ =	shalt  }
0x6a: {  	_ =	shalt  }
0x6b: {  	_ =	shalt  }
0x6c: {  	_ =	shalt  }
0x6d: {  	_ =	shalt  }
0x6e: {  	_ =	shalt  }
0x6f: {  	_ =	shalt  }
0x70: {  	_ =	shalt  }
0x71: {  	_ =	shalt  }
0x72: {  	_ =	shalt  }
0x73: {  	_ =	shalt  }
0x74: {  	_ =	shalt  }
0x75: {  	_ =	shalt  }
0x76: {  	_ =	shalt  }
0x77: {  	_ =	shalt  }
0x78: {  	_ =	shalt  }
0x79: {  	_ =	shalt  }
0x7a: {  	_ =	shalt  }
0x7b: {  	_ =	shalt  }
0x7c: {  	_ =	shalt  }
0x7d: {  	_ =	shalt  }
0x7e: {  	_ =	shalt  }
0x7f: {  	_ =	shalt  }
0x80: {  	_ =	shalt  }
0x81: {  	_ =	shalt  }
0x82: {  	_ =	shalt  }
0x83: {  	_ =	shalt  }
0x84: {  	_ =	shalt  }
0x85: {  	_ =	shalt  }
0x86: {  	_ =	shalt  }
0x87: {  	_ =	shalt  }
.Lfunc_end0:
.L_simem_size_0:
called_computation_lowered:
.L_overlay_start_0:
0x88: {  	s2 =	sld [smem:$0x3FD9]  }
0x89: {  	s3 =	sld [smem:$0x3FFE];
	_ =	sdelay $0x1  }
0x8a: {  	s1 =	srdreg.scid  }
0x8b: {  	s0 =	sand.u32 $0x1, s1  }
0x8c: {  	s17 =	sshll.u32 s0, $0xA;
	s2 =	sadd.s32 s3, s2  }
0x8d: {  	s2 =	sadd.s32 s2, s17  }
0x8e: {  	[smem:$0x3FC5] =	sst s2  }
0x8f: {  	_ = 	snop  }
0x90: {  	s2 =	sld [smem:$0x3FC9]  }
0x91: {  	s18 =	sld [smem:$0x3FC8]  }
0x92: {  	s4 =	sld [smem:$0x3FD0];
	(tm) =	ssettm $0x1  }
0x93: {  	s5 =	sld [smem:$0x3FFB];
	_ =	sdelay $0x3  }
0x94: {  	_ =	strace s5  }
0x95: {  	s5 =	sld [smem:$0x3FFC];
	_ =	sdelay $0x3  }
0x96: {  	_ =	strace s5  }
0x97: {  	s5 =	sld [smem:$0x3FFD];
	_ =	sdelay $0x3  }
0x98: {  	_ =	strace s5  }
0x99: {  	_ =	strace $0x8FFFFFFF  }
0x9a: {  	s19 =	sld [smem:$0x3FDB];
	_ =	sdelay $0x1  }
0x9b: {  	s6 =	simm.s32 $_scs_section_size  }
0x9c: {  	s7 =	simm.s32 $_size__tile_overlayer_lowered;
	s8 =	simm.s32 $_tile_overlayer_lowered  }
0x9d: {  	s22 =	simm.s32 $0x1BFF;
	s21 =	sshll.u32 s8, $0x1;
	s5 =	sadd.s32 s6, s19  }
0x9e: {  	s9 =	simm.s32 $0x0;
	s20 =	sshll.u32 s7, $0x1;
	s7 =	sadd.s32 s21, s5  }
0x9f: {  	[timem:s9], [sflag:s22] =	dma.local [hbm:s7], s20  }
0xa0: {  	_ =	swait.ge [sflag:s22], s20  }
0xa1: {  	s6 =	ssub.s32 $0x0, s20;
	[sflag:s22] =	ssyncset.done $0x0  }
0xa2: {  	[sflag:s22] =	ssyncadd.s32 s6;
	_ =	sdelay $0x1  }
0xa3: {  	s23 =	simm.s32 $0x1B8B  }
0xa4: {  	_ =	swait.ge [sflag:s23], $0x1  }
0xa5: {  	[sflag:s23] =	ssyncset.done $0x0  }
0xa6: {  	s25 =	simm.s32 $0x1B8E;
	s24 =	sld [smem:$0x3FFE];
	[sflag:s23] =	ssyncadd.s32 $0xFFFFFFFF  }
0xa7: {  	s26 =	simm.s32 $execute0_lowered;
	[smem:$0x3FD2] =	sst s25  }
0xa8: {  	s7 =	sshll.u32 s26, $0x1;
	_ =	strace $0x80000046;
	[dreg:$0x1] =	wrdreg $0xFFFFFFFF  }
0xa9: {  	s28 =	simm.s32 $_size_execute0_lowered;
	s5 =	sadd.s32 s5, s7;
	[dreg:$0x0] =	wrdreg $0x0  }
0xaa: {  	s7 =	sshll.u32 s28, $0x1;
	[dreg:$0x2] =	wrdreg s5  }
0xab: {  	[dreg:$0x3] =	wrdreg s7  }
0xac: {  	[dreg:$0x4] =	wrdreg $0xC0  }
0xad: {  	_ =	task [dreg:s9], $0x5FFFF  }
0xae: {  	[dreg:$0x1] =	wrdreg $0xFFFFFFFF  }
0xaf: {  	[dreg:$0x0] =	wrdreg $0x60  }
0xb0: {  	[dreg:$0x2] =	wrdreg s2  }
0xb1: {  	[dreg:$0x3] =	wrdreg s18  }
0xb2: {  	[dreg:$0x4] =	wrdreg s24  }
0xb3: {  	[dreg:$0x5] =	wrdreg s4  }
0xb4: {  	[dreg:$0x6] =	wrdreg $0x9  }
0xb5: {  	_ =	task.clear_ibuf [dreg:s9], $0x7FFFF;
	_ =	strace $0x90000046  }
0xb6: {  	s29 =	simm.s32 $0x9;
	_ =	strace $0x80000048  }
0xb7: {  	_ =	swait.ge [sflag:s29], $0x1  }
0xb8: {  	[sflag:s29] =	ssyncadd.s32 $0xFFFFFFFF  }
0xb9: {  	_ =	strace $0x90000048  }
0xba: {  	_ =	sfence  }
0xbb: {  	s30 =	sld [smem:$0x0];
	_ =	sdelay $0x2  }
0xbc: {  	s31 =	sshll.u32 s1, $0xD;
	s1 =	sshrl.u32 s1, $0x2  }
0xbd: {  	s3 =	sand.u32 $0x4000, s31;
	s1 =	sadd.s32 s1, s30  }
0xbe: {  	s0 =	sor.u32 s3, s0;
	s1 =	sshll.u32 s1, $0x11  }
0xbf: {  	s0 =	sor.u32 s1, s0  }
0xc0: {  	s0 =	sadd.s32 $0x8F2B, s0  }
0xc1: {  	[sflag:s0] =	ssyncadd.remote.s32 $0x1  }
0xc2: {  	_ =	sfence.sel $0xFFFF  }
0xc3: {  	[dreg:$0x0] =	wrdreg $0xFFFFFFFF;
	(pc) =	sbr.abs _section_cstart, $3  }
0xc4: {  	[dreg:$0x1] =	wrdreg $0xFFFFFFFF  }
0xc5: {  	_ =	task.clear_ibuf [dreg:s9], $0x2FFFF;
	_ =	strace $0x9FFFFFFF  }
0xc6: {  	(tm) =	ssettm $0x7FFFFFFF  }
0xc7: {  	_ =	shalt  }
tec
execute0_lowered:
.L_overlay_start_1:
0x0: {  	(tag) =	ssettag $0x1  }
0x1: {  	v0 =	vimm.s32 $0x2380;
	vm15 =	vcmask $0x300  }
0x2: {  	vm14 =	vcmask $0x704;
	v0 =	vsel vm15, $0x0, v0  }
0x3: {  	vm13 =	vcmask $0xB08;
	v0 =	vsel vm14, $0x80, v0  }
0x4: {  	vm12 =	vcmask $0xF0C;
	v0 =	vsel vm13, $0x100, v0  }
0x5: {  	vm11 =	vcmask $0x1310;
	v0 =	vsel vm12, $0x180, v0  }
0x6: {  	vm10 =	vcmask $0x1714;
	vm9 =	vcmask $0x1B18;
	v0 =	vsel vm11, $0x200, v0  }
0x7: {  	vm8 =	vcmask $0x1F1C;
	vm7 =	vcmask $0x2320;
	v0 =	vsel vm10, $0x280, v0  }
0x8: {  	vm6 =	vcmask $0x2724;
	vm5 =	vcmask $0x2B28;
	v0 =	vsel vm9, $0x300, v0  }
0x9: {  	v2 =	vlaneseq.u32;
	vm1 =	vcmask $0x2F2C;
	v0 =	vsel vm8, $0x380, v0  }
0xa: {  	vm2 =	vcmask $0x3330;
	vm3 =	vcmask $0x3734;
	v0 =	vsel vm7, $0x2000, v0  }
0xb: {  	vm4 =	vcmask $0x3B38;
	vm0 =	vmmov $0xffff;
	v0 =	vsel vm6, $0x2080, v0  }
0xc: {  	v5 =	vimm.s32 $0xA380;
	v6 =	vimm.s32 $0xE380;
	v1 =	vsel vm5, $0x2100, v0  }
0xd: {  	v3 =	vshrl.u32 v2, $0x3;
	v5 =	vsel vm15, $0x8000, v5;
	v1 =	vsel vm1, $0x2180, v1  }
0xe: {  	v6 =	vsel vm15, $0xC000, v6;
	v5 =	vsel vm14, $0x8080, v5;
	v4 =	vsel vm2, $0x2200, v1  }
0xf: {  	v1 =	vmul.u32 $0x8, v3;
	v3 =	vsel vm3, $0x2280, v4;
	v4 =	vimm.s32 $0x6380  }
0x10: {  	v6 =	vsel vm14, $0xC080, v6;
	v5 =	vsel vm13, $0x8100, v5;
	v4 =	vsel vm15, $0x4000, v4  }
0x11: {  	v6 =	vsel vm13, $0xC100, v6;
	v5 =	vsel vm12, $0x8180, v5;
	v4 =	vsel vm14, $0x4080, v4  }
0x12: {  	s0 =	rddreg [dreg:$0x0];
	v6 =	vsel vm12, $0xC180, v6;
	v5 =	vsel vm11, $0x8200, v5;
	v4 =	vsel vm13, $0x4100, v4  }
0x13: {  	s1 =	rddreg [dreg:$0x1];
	v6 =	vsel vm11, $0xC200, v6;
	v5 =	vsel vm10, $0x8280, v5;
	v4 =	vsel vm12, $0x4180, v4  }
0x14: {  	s6 =	rddreg [dreg:$0x2];
	v6 =	vsel vm10, $0xC280, v6;
	v5 =	vsel vm9, $0x8300, v5;
	v4 =	vsel vm11, $0x4200, v4  }
0x15: {  	s7 =	rddreg [dreg:$0x3];
	s3 =	srdreg.scid;
	s2 =	simm.s32 $0x0;
	v6 =	vsel vm9, $0xC300, v6;
	v5 =	vsel vm8, $0x8380, v5;
	v4 =	vsel vm10, $0x4280, v4  }
0x16: {  	s4 =	stileid.u32;
	s30 =	simm.s32 $0x200;
	s31 =	simm.s32 $0x10400;
	v6 =	vsel vm8, $0xC380, v6;
	v5 =	vsel vm7, $0xA000, v5;
	v4 =	vsel vm9, $0x4300, v4  }
0x17: {  	s18 =	simm.s32 $0x1;
	s3 =	sand.u32 $0x1, s3;
	[smem:$0x7FF] =	sst s2;
	v6 =	vsel vm7, $0xE000, v6;
	v5 =	vsel vm6, $0xA080, v5;
	v4 =	vsel vm8, $0x4380, v4  }
0x18: {  	s4 =	sshll.u32 s4, $0x7;
	s5 =	sshll.u32 s3, $0x6;
	_ =	strace $0x80000047;
	v6 =	vsel vm6, $0xE080, v6;
	v0 =	vand.u32 $0x7, v2;
	v4 =	vsel vm7, $0x6000, v4  }
0x19: {  	s8 =	ssub.s32 $0x2, s3;
	s3 =	sadd.s32 $0xC35400, s6;
	[dreg:$0x8] =	wrdreg s30;
	v2 =	vor.u32 $0x8, v2;
	v5 =	vsel vm5, $0xA100, v5;
	v4 =	vsel vm6, $0x6080, v4  }
0x1a: {  	[dreg:$0x9] =	wrdreg s31;
	s9 =	sor.u32 s5, s4;
	s4 =	sadd.s32 $0xC35500, s6;
	v6 =	vsel vm5, $0xE100, v6;
	v5 =	vsel vm1, $0xA180, v5;
	v4 =	vsel vm5, $0x6100, v4  }
0x1b: {  	s10 =	sshrl.u32 s8, $0x1;
	s5 =	sadd.s32 $0xC35600, s6;
	s0 =	sadd.s32 s0, s9;
	v6 =	vsel vm1, $0xE180, v6;
	v5 =	vsel vm2, $0xA200, v5;
	v4 =	vsel vm1, $0x6180, v4  }
0x1c: {  	s6 =	sadd.s32 $0xC35700, s6;
	s26 =	sadd.s32 s1, s9;
	[dreg:$0x5] =	wrdreg s0;
	v6 =	vsel vm2, $0xE200, v6;
	v5 =	vsel vm3, $0xA280, v5;
	v4 =	vsel vm2, $0x6200, v4  }
0x1d: {  	s28 =	sadd.s32 s7, s9;
	s29 =	ssub.s32 s8, s10;
	[dreg:$0x6] =	wrdreg s26;
	v6 =	vsel vm3, $0xE280, v6;
	v3 =	vsel vm4, $0x2300, v3;
	v4 =	vsel vm3, $0x6280, v4  }
0x1e: {  	s9 =	simm.s32 $0x400;
	[dreg:$0x7] =	wrdreg s28;
	s1 =	smax.u32 s29, $0x1;
	v5 =	vsel vm4, $0xA300, v5;
	v6 =	vsel vm4, $0xE300, v6;
	v4 =	vsel vm4, $0x6300, v4  }
.LBB2_1:
0x1f: {  	[dreg:$0xa] =	wrdreg s1  }
0x20: {  	s19 =	rddreg [dreg:$0x5];
	s0 =	simm.s32 $0x2  }
0x21: {  	[tilespmem:s2], [sflag:$0x2] =	stream.linear.gather [hbm4b:s19+s2], $0x200, $0x38;
	[tilespmem:$0x10600] =	vst v63  }
0x22: {  	_ =	swait.ge [sflag:s0], $0x200  }
0x23: {  	s21 =	rddreg [dreg:$0x6];
	[sflag:s0] =	ssyncset.done $0x0  }
0x24: {  	s20 =	rddreg [dreg:$0x8];
	[sflag:s0] =	ssyncadd.s32 $0xFFFFFE00  }
0x25: {  	[tilespmem:s20], [sflag:$0x2] =	stream.linear.gather [hbm4b:s21+s2], $0x200, $0x38;
	[tilespmem:$0x10600] =	vst v63  }
0x26: {  	_ =	swait.ge [sflag:s0], $0x200  }
0x27: {  	[sflag:s0] =	ssyncset.done $0x0  }
0x28: {  	[sflag:s0] =	ssyncadd.s32 $0xFFFFFE00  }
0x29: {  	v7 =	vld [tilespmem:$0x0];
	_ =	sdelay $0x4  }
0x2a: {  	v8 =	vshll.u32 v7, $0x3  }
0x2b: {  	v7 =	vand.u32 $0x7, v7;
	v8 =	vand.u32 $0xFFFFFFC0, v8  }
0x2c: {  	v7 =	vor.u32 v7, v8  }
0x2d: {  	v8 =	vperm.xlane v7, v0;
	_ =	sdelay $0x1  }
0x2e: {  	v8 =	vadd.s32 v1, v8;
	_ =	sdelay $0x4  }
0x2f: {  	[tilespmem:s9], [sflag:$0x1] =	stream.indirect_vreg.gather [hbm4b:s3+s2], $0x80, v8, vm0, $0xb8;
	[tilespmem:$0x10600] =	vst v63  }
0x30: {  	s22 =	simm.s32 $0xC00;
	v7 =	vperm.xlane v7, v2  }
0x31: {  	[tilespmem:s22], [sflag:$0x1] =	stream.indirect_vreg.gather [hbm4b:s4+s2], $0x80, v8, vm0, $0xb8;
	[tilespmem:$0x10600] =	vst v63  }
0x32: {  	s23 =	simm.s32 $0x1400;
	v7 =	vadd.s32 v1, v7  }
0x33: {  	[tilespmem:s23], [sflag:$0x1] =	stream.indirect_vreg.gather [hbm4b:s5+s2], $0x80, v8, vm0, $0xb8;
	[tilespmem:$0x10600] =	vst v63  }
0x34: {  	s24 =	simm.s32 $0x1C00  }
0x35: {  	[tilespmem:s24], [sflag:$0x1] =	stream.indirect_vreg.gather [hbm4b:s6+s2], $0x80, v8, vm0, $0xb8;
	[tilespmem:$0x10600] =	vst v63  }
0x36: {  	s25 =	simm.s32 $0x2400  }
0x37: {  	[tilespmem:s25], [sflag:$0x1] =	stream.indirect_vreg.gather [hbm4b:s3+s2], $0x80, v7, vm0, $0xb8;
	[tilespmem:$0x10600] =	vst v63  }
0x38: {  	s26 =	simm.s32 $0x2C00  }
0x39: {  	[tilespmem:s26], [sflag:$0x1] =	stream.indirect_vreg.gather [hbm4b:s4+s2], $0x80, v7, vm0, $0xb8;
	[tilespmem:$0x10600] =	vst v63  }
0x3a: {  	s28 =	simm.s32 $0x3400  }
0x3b: {  	[tilespmem:s28], [sflag:$0x1] =	stream.indirect_vreg.gather [hbm4b:s5+s2], $0x80, v7, vm0, $0xb8;
	[tilespmem:$0x10600] =	vst v63  }
0x3c: {  	s29 =	simm.s32 $0x3C00  }
0x3d: {  	[tilespmem:s29], [sflag:$0x1] =	stream.indirect_vreg.gather [hbm4b:s6+s2], $0x80, v7, vm0, $0xb8;
	[tilespmem:$0x10600] =	vst v63  }
0x3e: {  	v7 =	vld [tilespmem:$0x10];
	_ =	sdelay $0x4  }
0x3f: {  	v8 =	vshll.u32 v7, $0x3  }
0x40: {  	v7 =	vand.u32 $0x7, v7;
	v8 =	vand.u32 $0xFFFFFFC0, v8  }
0x41: {  	v7 =	vor.u32 v7, v8  }
0x42: {  	v8 =	vperm.xlane v7, v0;
	_ =	sdelay $0x1  }
0x43: {  	v8 =	vadd.s32 v1, v8;
	_ =	sdelay $0x3  }
0x44: {  	s30 =	simm.s32 $0x4400  }
0x45: {  	[tilespmem:s30], [sflag:$0x1] =	stream.indirect_vreg.gather [hbm4b:s3+s2], $0x80, v8, vm0, $0xb8;
	[tilespmem:$0x10600] =	vst v63  }
0x46: {  	s31 =	simm.s32 $0x4C00;
	v7 =	vperm.xlane v7, v2  }
0x47: {  	[tilespmem:s31], [sflag:$0x1] =	stream.indirect_vreg.gather [hbm4b:s4+s2], $0x80, v8, vm0, $0xb8;
	[tilespmem:$0x10600] =	vst v63  }
0x48: {  	s1 =	simm.s32 $0x5400;
	v7 =	vadd.s32 v1, v7  }
0x49: {  	[tilespmem:s1], [sflag:$0x1] =	stream.indirect_vreg.gather [hbm4b:s5+s2], $0x80, v8, vm0, $0xb8;
	[tilespmem:$0x10600] =	vst v63  }
0x4a: {  	s7 =	simm.s32 $0x5C00  }
0x4b: {  	[tilespmem:s7], [sflag:$0x1] =	stream.indirect_vreg.gather [hbm4b:s6+s2], $0x80, v8, vm0, $0xb8;
	[tilespmem:$0x10600] =	vst v63  }
0x4c: {  	s8 =	simm.s32 $0x6400  }
0x4d: {  	[tilespmem:s8], [sflag:$0x1] =	stream.indirect_vreg.gather [hbm4b:s3+s2], $0x80, v7, vm0, $0xb8;
	[tilespmem:$0x10600] =	vst v63  }
0x4e: {  	s10 =	simm.s32 $0x6C00  }
0x4f: {  	[tilespmem:s10], [sflag:$0x1] =	stream.indirect_vreg.gather [hbm4b:s4+s2], $0x80, v7, vm0, $0xb8;
	[tilespmem:$0x10600] =	vst v63  }
0x50: {  	s11 =	simm.s32 $0x7400  }
0x51: {  	[tilespmem:s11], [sflag:$0x1] =	stream.indirect_vreg.gather [hbm4b:s5+s2], $0x80, v7, vm0, $0xb8;
	[tilespmem:$0x10600] =	vst v63  }
0x52: {  	s12 =	simm.s32 $0x7C00  }
0x53: {  	[tilespmem:s12], [sflag:$0x1] =	stream.indirect_vreg.gather [hbm4b:s6+s2], $0x80, v7, vm0, $0xb8;
	[tilespmem:$0x10600] =	vst v63  }
0x54: {  	v7 =	vld [tilespmem:$0x20];
	_ =	sdelay $0x4  }
0x55: {  	v8 =	vshll.u32 v7, $0x3  }
0x56: {  	v7 =	vand.u32 $0x7, v7;
	v8 =	vand.u32 $0xFFFFFFC0, v8  }
0x57: {  	v7 =	vor.u32 v7, v8  }
0x58: {  	v8 =	vperm.xlane v7, v0;
	_ =	sdelay $0x1  }
0x59: {  	v8 =	vadd.s32 v1, v8;
	_ =	sdelay $0x3  }
0x5a: {  	s14 =	simm.s32 $0x8400  }
0x5b: {  	[tilespmem:s14], [sflag:$0x1] =	stream.indirect_vreg.gather [hbm4b:s3+s2], $0x80, v8, vm0, $0xb8;
	[tilespmem:$0x10600] =	vst v63  }
0x5c: {  	s15 =	simm.s32 $0x8C00;
	v7 =	vperm.xlane v7, v2  }
0x5d: {  	[tilespmem:s15], [sflag:$0x1] =	stream.indirect_vreg.gather [hbm4b:s4+s2], $0x80, v8, vm0, $0xb8;
	[tilespmem:$0x10600] =	vst v63  }
0x5e: {  	s24 =	simm.s32 $0x9400;
	v7 =	vadd.s32 v1, v7  }
0x5f: {  	[tilespmem:s24], [sflag:$0x1] =	stream.indirect_vreg.gather [hbm4b:s5+s2], $0x80, v8, vm0, $0xb8;
	[tilespmem:$0x10600] =	vst v63  }
0x60: {  	s28 =	simm.s32 $0x9C00  }
0x61: {  	[tilespmem:s28], [sflag:$0x1] =	stream.indirect_vreg.gather [hbm4b:s6+s2], $0x80, v8, vm0, $0xb8;
	[tilespmem:$0x10600] =	vst v63  }
0x62: {  	s29 =	simm.s32 $0xA400  }
0x63: {  	[tilespmem:s29], [sflag:$0x1] =	stream.indirect_vreg.gather [hbm4b:s3+s2], $0x80, v7, vm0, $0xb8;
	[tilespmem:$0x10600] =	vst v63  }
0x64: {  	s30 =	simm.s32 $0xAC00  }
0x65: {  	[tilespmem:s30], [sflag:$0x1] =	stream.indirect_vreg.gather [hbm4b:s4+s2], $0x80, v7, vm0, $0xb8;
	[tilespmem:$0x10600] =	vst v63  }
0x66: {  	s31 =	simm.s32 $0xB400  }
0x67: {  	[tilespmem:s31], [sflag:$0x1] =	stream.indirect_vreg.gather [hbm4b:s5+s2], $0x80, v7, vm0, $0xb8;
	[tilespmem:$0x10600] =	vst v63  }
0x68: {  	s7 =	simm.s32 $0xBC00  }
0x69: {  	[tilespmem:s7], [sflag:$0x1] =	stream.indirect_vreg.gather [hbm4b:s6+s2], $0x80, v7, vm0, $0xb8;
	[tilespmem:$0x10600] =	vst v63  }
0x6a: {  	v7 =	vld [tilespmem:$0x30];
	_ =	sdelay $0x4  }
0x6b: {  	v8 =	vshll.u32 v7, $0x3  }
0x6c: {  	v7 =	vand.u32 $0x7, v7;
	v8 =	vand.u32 $0xFFFFFFC0, v8  }
0x6d: {  	v7 =	vor.u32 v7, v8  }
0x6e: {  	v8 =	vperm.xlane v7, v0;
	_ =	sdelay $0x1  }
0x6f: {  	v8 =	vadd.s32 v1, v8;
	_ =	sdelay $0x3  }
0x70: {  	s8 =	simm.s32 $0xC400  }
0x71: {  	[tilespmem:s8], [sflag:$0x1] =	stream.indirect_vreg.gather [hbm4b:s3+s2], $0x80, v8, vm0, $0xb8;
	[tilespmem:$0x10600] =	vst v63  }
0x72: {  	s12 =	simm.s32 $0xCC00;
	v7 =	vperm.xlane v7, v2  }
0x73: {  	[tilespmem:s12], [sflag:$0x1] =	stream.indirect_vreg.gather [hbm4b:s4+s2], $0x80, v8, vm0, $0xb8;
	[tilespmem:$0x10600] =	vst v63  }
0x74: {  	s24 =	simm.s32 $0xD400;
	v7 =	vadd.s32 v1, v7  }
0x75: {  	[tilespmem:s24], [sflag:$0x1] =	stream.indirect_vreg.gather [hbm4b:s5+s2], $0x80, v8, vm0, $0xb8;
	[tilespmem:$0x10600] =	vst v63  }
0x76: {  	s28 =	simm.s32 $0xDC00  }
0x77: {  	[tilespmem:s28], [sflag:$0x1] =	stream.indirect_vreg.gather [hbm4b:s6+s2], $0x80, v8, vm0, $0xb8;
	[tilespmem:$0x10600] =	vst v63  }
0x78: {  	s29 =	simm.s32 $0xE400  }
0x79: {  	[tilespmem:s29], [sflag:$0x1] =	stream.indirect_vreg.gather [hbm4b:s3+s2], $0x80, v7, vm0, $0xb8;
	[tilespmem:$0x10600] =	vst v63  }
0x7a: {  	s30 =	simm.s32 $0xEC00  }
0x7b: {  	[tilespmem:s30], [sflag:$0x1] =	stream.indirect_vreg.gather [hbm4b:s4+s2], $0x80, v7, vm0, $0xb8;
	[tilespmem:$0x10600] =	vst v63  }
0x7c: {  	s31 =	simm.s32 $0xF400  }
0x7d: {  	[tilespmem:s31], [sflag:$0x1] =	stream.indirect_vreg.gather [hbm4b:s5+s2], $0x80, v7, vm0, $0xb8;
	[tilespmem:$0x10600] =	vst v63  }
0x7e: {  	s12 =	simm.s32 $0xFC00  }
0x7f: {  	[tilespmem:s12], [sflag:$0x1] =	stream.indirect_vreg.gather [hbm4b:s6+s2], $0x80, v7, vm0, $0xb8;
	[tilespmem:$0x10600] =	vst v63  }
0x80: {  	_ =	swait.ge [sflag:s18], $0x10000  }
0x81: {  	[sflag:s18] =	ssyncset.done $0x0  }
0x82: {  	[sflag:s18] =	ssyncadd.s32 $0xFFFF0000  }
0x83: {  	v7 =	vld [tilespmem:$0x200];
	_ =	sdelay $0x4  }
0x84: {  	v8 =	vshll.u32 v7, $0x3  }
0x85: {  	v9 =	vld [tilespmem:$0x210];
	v7 =	vand.u32 $0x7F, v7;
	v8 =	vand.u32 $0xFFFFFC00, v8  }
0x86: {  	v7 =	vor.u32 v7, v8  }
0x87: {  	v7 =	vadd.s32 v3, v7;
	_ =	sdelay $0x2  }
0x88: {  	v8 =	vshll.u32 v9, $0x3  }
0x89: {  	v10 =	vld [tilespmem:$0x220];
	v9 =	vand.u32 $0x7F, v9;
	v8 =	vand.u32 $0xFFFFFC00, v8  }
0x8a: {  	v8 =	vor.u32 v9, v8;
	v7 =	vld.idx.msk [tilespmem:v7+s9+$0x0], $0xffff  }
0x8b: {  	v8 =	vadd.s32 v4, v8;
	_ =	sdelay $0x2  }
0x8c: {  	v58 =	vshll.u32 v10, $0x3  }
0x8d: {  	v59 =	vld [tilespmem:$0x230];
	v9 =	vand.u32 $0xFFFFFC00, v58;
	[tilespmem:$0x10400] =	vst v7;
	v7 =	vand.u32 $0x7F, v10  }
0x8e: {  	v8 =	vld.idx.msk [tilespmem:v8+s9+$0x0], $0xffff;
	v7 =	vor.u32 v7, v9  }
0x8f: {  	v7 =	vadd.s32 v5, v7;
	_ =	sdelay $0x1  }
0x90: {  	v60 =	vld [tilespmem:$0x40]  }
0x91: {  	v11 =	vshll.u32 v59, $0x3  }
0x92: {  	v61 =	vand.u32 $0xFFFFFC00, v11;
	[tilespmem:$0x10410] =	vst v8;
	v8 =	vand.u32 $0x7F, v59  }
0x93: {  	v7 =	vld.idx.msk [tilespmem:v7+s9+$0x0], $0xffff;
	v8 =	vor.u32 v8, v61  }
0x94: {  	v8 =	vadd.s32 v6, v8  }
0x95: {  	v62 =	vshll.u32 v60, $0x3  }
0x96: {  	v10 =	vand.u32 $0xFFFFFFC0, v62;
	v9 =	vand.u32 $0x7, v60  }
0x97: {  	v9 =	vor.u32 v9, v10  }
0x98: {  	[tilespmem:$0x10420] =	vst v7;
	v7 =	vperm.xlane v9, v0  }
0x99: {  	v8 =	vld.idx.msk [tilespmem:v8+s9+$0x0], $0xffff  }
0x9a: {  	v7 =	vadd.s32 v1, v7;
	_ =	sdelay $0x3  }
0x9b: {  	[tilespmem:$0x10430] =	vst v8  }
0x9c: {  	[tilespmem:s9], [sflag:$0x1] =	stream.indirect_vreg.gather [hbm4b:s3+s2], $0x80, v7, vm0, $0xb8;
	[tilespmem:$0x10600] =	vst v63  }
0x9d: {  	s16 =	simm.s32 $0xC00;
	v8 =	vperm.xlane v9, v2  }
0x9e: {  	[tilespmem:s16], [sflag:$0x1] =	stream.indirect_vreg.gather [hbm4b:s4+s2], $0x80, v7, vm0, $0xb8;
	[tilespmem:$0x10600] =	vst v63  }
0x9f: {  	s17 =	simm.s32 $0x1400;
	v8 =	vadd.s32 v1, v8  }
0xa0: {  	[tilespmem:s17], [sflag:$0x1] =	stream.indirect_vreg.gather [hbm4b:s5+s2], $0x80, v7, vm0, $0xb8;
	[tilespmem:$0x10600] =	vst v63  }
0xa1: {  	s13 =	simm.s32 $0x1C00  }
0xa2: {  	[tilespmem:s13], [sflag:$0x1] =	stream.indirect_vreg.gather [hbm4b:s6+s2], $0x80, v7, vm0, $0xb8;
	[tilespmem:$0x10600] =	vst v63  }
0xa3: {  	s19 =	simm.s32 $0x2400  }
0xa4: {  	[tilespmem:s19], [sflag:$0x1] =	stream.indirect_vreg.gather [hbm4b:s3+s2], $0x80, v8, vm0, $0xb8;
	[tilespmem:$0x10600] =	vst v63  }
0xa5: {  	s20 =	simm.s32 $0x2C00  }
0xa6: {  	[tilespmem:s20], [sflag:$0x1] =	stream.indirect_vreg.gather [hbm4b:s4+s2], $0x80, v8, vm0, $0xb8;
	[tilespmem:$0x10600] =	vst v63  }
0xa7: {  	s21 =	simm.s32 $0x3400  }
0xa8: {  	[tilespmem:s21], [sflag:$0x1] =	stream.indirect_vreg.gather [hbm4b:s5+s2], $0x80, v8, vm0, $0xb8;
	[tilespmem:$0x10600] =	vst v63  }
0xa9: {  	s22 =	simm.s32 $0x3C00  }
0xaa: {  	[tilespmem:s22], [sflag:$0x1] =	stream.indirect_vreg.gather [hbm4b:s6+s2], $0x80, v8, vm0, $0xb8;
	[tilespmem:$0x10600] =	vst v63  }
0xab: {  	v7 =	vld [tilespmem:$0x50];
	_ =	sdelay $0x4  }
0xac: {  	v8 =	vshll.u32 v7, $0x3  }
0xad: {  	v7 =	vand.u32 $0x7, v7;
	v8 =	vand.u32 $0xFFFFFFC0, v8  }
0xae: {  	v7 =	vor.u32 v7, v8  }
0xaf: {  	v8 =	vperm.xlane v7, v0;
	_ =	sdelay $0x1  }
0xb0: {  	v8 =	vadd.s32 v1, v8;
	_ =	sdelay $0x3  }
0xb1: {  	s23 =	simm.s32 $0x4400  }
0xb2: {  	[tilespmem:s23], [sflag:$0x1] =	stream.indirect_vreg.gather [hbm4b:s3+s2], $0x80, v8, vm0, $0xb8;
	[tilespmem:$0x10600] =	vst v63  }
0xb3: {  	s25 =	simm.s32 $0x4C00;
	v7 =	vperm.xlane v7, v2  }
0xb4: {  	[tilespmem:s25], [sflag:$0x1] =	stream.indirect_vreg.gather [hbm4b:s4+s2], $0x80, v8, vm0, $0xb8;
	[tilespmem:$0x10600] =	vst v63  }
0xb5: {  	s26 =	simm.s32 $0x5400;
	v7 =	vadd.s32 v1, v7  }
0xb6: {  	[tilespmem:s26], [sflag:$0x1] =	stream.indirect_vreg.gather [hbm4b:s5+s2], $0x80, v8, vm0, $0xb8;
	[tilespmem:$0x10600] =	vst v63  }
0xb7: {  	s30 =	simm.s32 $0x5C00  }
0xb8: {  	[tilespmem:s30], [sflag:$0x1] =	stream.indirect_vreg.gather [hbm4b:s6+s2], $0x80, v8, vm0, $0xb8;
	[tilespmem:$0x10600] =	vst v63  }
0xb9: {  	s31 =	simm.s32 $0x6400  }
0xba: {  	[tilespmem:s31], [sflag:$0x1] =	stream.indirect_vreg.gather [hbm4b:s3+s2], $0x80, v7, vm0, $0xb8;
	[tilespmem:$0x10600] =	vst v63  }
0xbb: {  	s0 =	simm.s32 $0x6C00  }
0xbc: {  	[tilespmem:s0], [sflag:$0x1] =	stream.indirect_vreg.gather [hbm4b:s4+s2], $0x80, v7, vm0, $0xb8;
	[tilespmem:$0x10600] =	vst v63  }
0xbd: {  	s1 =	simm.s32 $0x7400  }
0xbe: {  	[tilespmem:s1], [sflag:$0x1] =	stream.indirect_vreg.gather [hbm4b:s5+s2], $0x80, v7, vm0, $0xb8;
	[tilespmem:$0x10600] =	vst v63  }
0xbf: {  	s13 =	simm.s32 $0x7C00  }
0xc0: {  	[tilespmem:s13], [sflag:$0x1] =	stream.indirect_vreg.gather [hbm4b:s6+s2], $0x80, v7, vm0, $0xb8;
	[tilespmem:$0x10600] =	vst v63  }
0xc1: {  	v7 =	vld [tilespmem:$0x60];
	_ =	sdelay $0x4  }
0xc2: {  	v8 =	vshll.u32 v7, $0x3  }
0xc3: {  	v7 =	vand.u32 $0x7, v7;
	v8 =	vand.u32 $0xFFFFFFC0, v8  }
0xc4: {  	v7 =	vor.u32 v7, v8  }
0xc5: {  	v8 =	vperm.xlane v7, v0;
	_ =	sdelay $0x1  }
0xc6: {  	v8 =	vadd.s32 v1, v8;
	_ =	sdelay $0x3  }
0xc7: {  	s14 =	simm.s32 $0x8400  }
0xc8: {  	[tilespmem:s14], [sflag:$0x1] =	stream.indirect_vreg.gather [hbm4b:s3+s2], $0x80, v8, vm0, $0xb8;
	[tilespmem:$0x10600] =	vst v63  }
0xc9: {  	s15 =	simm.s32 $0x8C00;
	v7 =	vperm.xlane v7, v2  }
0xca: {  	[tilespmem:s15], [sflag:$0x1] =	stream.indirect_vreg.gather [hbm4b:s4+s2], $0x80, v8, vm0, $0xb8;
	[tilespmem:$0x10600] =	vst v63  }
0xcb: {  	s10 =	simm.s32 $0x9400;
	v7 =	vadd.s32 v1, v7  }
0xcc: {  	[tilespmem:s10], [sflag:$0x1] =	stream.indirect_vreg.gather [hbm4b:s5+s2], $0x80, v8, vm0, $0xb8;
	[tilespmem:$0x10600] =	vst v63  }
0xcd: {  	s14 =	simm.s32 $0x9C00  }
0xce: {  	[tilespmem:s14], [sflag:$0x1] =	stream.indirect_vreg.gather [hbm4b:s6+s2], $0x80, v8, vm0, $0xb8;
	[tilespmem:$0x10600] =	vst v63  }
0xcf: {  	s15 =	simm.s32 $0xA400  }
0xd0: {  	[tilespmem:s15], [sflag:$0x1] =	stream.indirect_vreg.gather [hbm4b:s3+s2], $0x80, v7, vm0, $0xb8;
	[tilespmem:$0x10600] =	vst v63  }
0xd1: {  	s16 =	simm.s32 $0xAC00  }
0xd2: {  	[tilespmem:s16], [sflag:$0x1] =	stream.indirect_vreg.gather [hbm4b:s4+s2], $0x80, v7, vm0, $0xb8;
	[tilespmem:$0x10600] =	vst v63  }
0xd3: {  	s17 =	simm.s32 $0xB400  }
0xd4: {  	[tilespmem:s17], [sflag:$0x1] =	stream.indirect_vreg.gather [hbm4b:s5+s2], $0x80, v7, vm0, $0xb8;
	[tilespmem:$0x10600] =	vst v63  }
0xd5: {  	s11 =	simm.s32 $0xBC00  }
0xd6: {  	[tilespmem:s11], [sflag:$0x1] =	stream.indirect_vreg.gather [hbm4b:s6+s2], $0x80, v7, vm0, $0xb8;
	[tilespmem:$0x10600] =	vst v63  }
0xd7: {  	v7 =	vld [tilespmem:$0x70];
	_ =	sdelay $0x4  }
0xd8: {  	v8 =	vshll.u32 v7, $0x3  }
0xd9: {  	v7 =	vand.u32 $0x7, v7;
	v8 =	vand.u32 $0xFFFFFFC0, v8  }
0xda: {  	v7 =	vor.u32 v7, v8  }
0xdb: {  	v8 =	vperm.xlane v7, v0;
	_ =	sdelay $0x1  }
0xdc: {  	v8 =	vadd.s32 v1, v8;
	_ =	sdelay $0x3  }
0xdd: {  	s10 =	simm.s32 $0xC400  }
0xde: {  	[tilespmem:s10], [sflag:$0x1] =	stream.indirect_vreg.gather [hbm4b:s3+s2], $0x80, v8, vm0, $0xb8;
	[tilespmem:$0x10600] =	vst v63  }
0xdf: {  	s11 =	simm.s32 $0xCC00;
	v7 =	vperm.xlane v7, v2  }
0xe0: {  	[tilespmem:s11], [sflag:$0x1] =	stream.indirect_vreg.gather [hbm4b:s4+s2], $0x80, v8, vm0, $0xb8;
	[tilespmem:$0x10600] =	vst v63  }
0xe1: {  	s1 =	simm.s32 $0xD400;
	v7 =	vadd.s32 v1, v7  }
0xe2: {  	[tilespmem:s1], [sflag:$0x1] =	stream.indirect_vreg.gather [hbm4b:s5+s2], $0x80, v8, vm0, $0xb8;
	[tilespmem:$0x10600] =	vst v63  }
0xe3: {  	s7 =	simm.s32 $0xDC00  }
0xe4: {  	[tilespmem:s7], [sflag:$0x1] =	stream.indirect_vreg.gather [hbm4b:s6+s2], $0x80, v8, vm0, $0xb8;
	[tilespmem:$0x10600] =	vst v63  }
0xe5: {  	s7 =	simm.s32 $0xE400  }
0xe6: {  	[tilespmem:s7], [sflag:$0x1] =	stream.indirect_vreg.gather [hbm4b:s3+s2], $0x80, v7, vm0, $0xb8;
	[tilespmem:$0x10600] =	vst v63  }
0xe7: {  	s8 =	simm.s32 $0xEC00  }
0xe8: {  	[tilespmem:s8], [sflag:$0x1] =	stream.indirect_vreg.gather [hbm4b:s4+s2], $0x80, v7, vm0, $0xb8;
	[tilespmem:$0x10600] =	vst v63  }
0xe9: {  	s8 =	simm.s32 $0xF400  }
0xea: {  	[tilespmem:s8], [sflag:$0x1] =	stream.indirect_vreg.gather [hbm4b:s5+s2], $0x80, v7, vm0, $0xb8;
	[tilespmem:$0x10600] =	vst v63  }
0xeb: {  	s12 =	simm.s32 $0xFC00  }
0xec: {  	[tilespmem:s12], [sflag:$0x1] =	stream.indirect_vreg.gather [hbm4b:s6+s2], $0x80, v7, vm0, $0xb8;
	[tilespmem:$0x10600] =	vst v63  }
0xed: {  	_ =	swait.ge [sflag:s18], $0x10000  }
0xee: {  	[sflag:s18] =	ssyncset.done $0x0  }
0xef: {  	[sflag:s18] =	ssyncadd.s32 $0xFFFF0000  }
0xf0: {  	v7 =	vld [tilespmem:$0x240];
	_ =	sdelay $0x4  }
0xf1: {  	v8 =	vshll.u32 v7, $0x3  }
0xf2: {  	v63 =	vld [tilespmem:$0x250];
	v7 =	vand.u32 $0x7F, v7;
	v8 =	vand.u32 $0xFFFFFC00, v8  }
0xf3: {  	v7 =	vor.u32 v7, v8  }
0xf4: {  	v7 =	vadd.s32 v3, v7;
	_ =	sdelay $0x2  }
0xf5: {  	v8 =	vshll.u32 v63, $0x3  }
0xf6: {  	v12 =	vld [tilespmem:$0x260];
	v9 =	vand.u32 $0x7F, v63;
	v8 =	vand.u32 $0xFFFFFC00, v8  }
0xf7: {  	v8 =	vor.u32 v9, v8;
	v7 =	vld.idx.msk [tilespmem:v7+s9+$0x0], $0xffff  }
0xf8: {  	v8 =	vadd.s32 v4, v8;
	_ =	sdelay $0x2  }
0xf9: {  	v13 =	vshll.u32 v12, $0x3  }
0xfa: {  	v14 =	vld [tilespmem:$0x270];
	v9 =	vand.u32 $0xFFFFFC00, v13;
	[tilespmem:$0x10440] =	vst v7;
	v7 =	vand.u32 $0x7F, v12  }
0xfb: {  	v8 =	vld.idx.msk [tilespmem:v8+s9+$0x0], $0xffff;
	v7 =	vor.u32 v7, v9  }
0xfc: {  	v7 =	vadd.s32 v5, v7;
	_ =	sdelay $0x1  }
0xfd: {  	v15 =	vld [tilespmem:$0x80]  }
0xfe: {  	v16 =	vshll.u32 v14, $0x3  }
0xff: {  	v17 =	vand.u32 $0xFFFFFC00, v16;
	[tilespmem:$0x10450] =	vst v8;
	v8 =	vand.u32 $0x7F, v14  }
0x100: {  	v7 =	vld.idx.msk [tilespmem:v7+s9+$0x0], $0xffff;
	v8 =	vor.u32 v8, v17  }
0x101: {  	v8 =	vadd.s32 v6, v8  }
0x102: {  	v18 =	vshll.u32 v15, $0x3  }
0x103: {  	v10 =	vand.u32 $0xFFFFFFC0, v18;
	v9 =	vand.u32 $0x7, v15  }
0x104: {  	v9 =	vor.u32 v9, v10  }
0x105: {  	[tilespmem:$0x10460] =	vst v7;
	v7 =	vperm.xlane v9, v0  }
0x106: {  	v8 =	vld.idx.msk [tilespmem:v8+s9+$0x0], $0xffff  }
0x107: {  	v7 =	vadd.s32 v1, v7;
	_ =	sdelay $0x3  }
0x108: {  	[tilespmem:$0x10470] =	vst v8  }
0x109: {  	[tilespmem:s9], [sflag:$0x1] =	stream.indirect_vreg.gather [hbm4b:s3+s2], $0x80, v7, vm0, $0xb8;
	[tilespmem:$0x10600] =	vst v63  }
0x10a: {  	s28 =	simm.s32 $0xC00;
	v8 =	vperm.xlane v9, v2  }
0x10b: {  	[tilespmem:s28], [sflag:$0x1] =	stream.indirect_vreg.gather [hbm4b:s4+s2], $0x80, v7, vm0, $0xb8;
	[tilespmem:$0x10600] =	vst v63  }
0x10c: {  	s29 =	simm.s32 $0x1400;
	v8 =	vadd.s32 v1, v8  }
0x10d: {  	[tilespmem:s29], [sflag:$0x1] =	stream.indirect_vreg.gather [hbm4b:s5+s2], $0x80, v7, vm0, $0xb8;
	[tilespmem:$0x10600] =	vst v63  }
0x10e: {  	s24 =	simm.s32 $0x1C00  }
0x10f: {  	[tilespmem:s24], [sflag:$0x1] =	stream.indirect_vreg.gather [hbm4b:s6+s2], $0x80, v7, vm0, $0xb8;
	[tilespmem:$0x10600] =	vst v63  }
0x110: {  	s19 =	simm.s32 $0x2400  }
0x111: {  	[tilespmem:s19], [sflag:$0x1] =	stream.indirect_vreg.gather [hbm4b:s3+s2], $0x80, v8, vm0, $0xb8;
	[tilespmem:$0x10600] =	vst v63  }
0x112: {  	s20 =	simm.s32 $0x2C00  }
0x113: {  	[tilespmem:s20], [sflag:$0x1] =	stream.indirect_vreg.gather [hbm4b:s4+s2], $0x80, v8, vm0, $0xb8;
	[tilespmem:$0x10600] =	vst v63  }
0x114: {  	s20 =	simm.s32 $0x3400  }
0x115: {  	[tilespmem:s20], [sflag:$0x1] =	stream.indirect_vreg.gather [hbm4b:s5+s2], $0x80, v8, vm0, $0xb8;
	[tilespmem:$0x10600] =	vst v63  }
0x116: {  	s20 =	simm.s32 $0x3C00  }
0x117: {  	[tilespmem:s20], [sflag:$0x1] =	stream.indirect_vreg.gather [hbm4b:s6+s2], $0x80, v8, vm0, $0xb8;
	[tilespmem:$0x10600] =	vst v63  }
0x118: {  	v7 =	vld [tilespmem:$0x90];
	_ =	sdelay $0x4  }
0x119: {  	v8 =	vshll.u32 v7, $0x3  }
0x11a: {  	v7 =	vand.u32 $0x7, v7;
	v8 =	vand.u32 $0xFFFFFFC0, v8  }
0x11b: {  	v7 =	vor.u32 v7, v8  }
0x11c: {  	v8 =	vperm.xlane v7, v0;
	_ =	sdelay $0x1  }
0x11d: {  	v8 =	vadd.s32 v1, v8;
	_ =	sdelay $0x3  }
0x11e: {  	s20 =	simm.s32 $0x4400  }
0x11f: {  	[tilespmem:s20], [sflag:$0x1] =	stream.indirect_vreg.gather [hbm4b:s3+s2], $0x80, v8, vm0, $0xb8;
	[tilespmem:$0x10600] =	vst v63  }
0x120: {  	v7 =	vperm.xlane v7, v2;
	s20 =	simm.s32 $0x4C00  }
0x121: {  	[tilespmem:s20], [sflag:$0x1] =	stream.indirect_vreg.gather [hbm4b:s4+s2], $0x80, v8, vm0, $0xb8;
	[tilespmem:$0x10600] =	vst v63  }
0x122: {  	v7 =	vadd.s32 v1, v7;
	s20 =	simm.s32 $0x5400  }
0x123: {  	[tilespmem:s20], [sflag:$0x1] =	stream.indirect_vreg.gather [hbm4b:s5+s2], $0x80, v8, vm0, $0xb8;
	[tilespmem:$0x10600] =	vst v63  }
0x124: {  	_ = 	snop  }
0x125: {  	[tilespmem:s30], [sflag:$0x1] =	stream.indirect_vreg.gather [hbm4b:s6+s2], $0x80, v8, vm0, $0xb8;
	[tilespmem:$0x10600] =	vst v63  }
0x126: {  	_ = 	snop  }
0x127: {  	[tilespmem:s31], [sflag:$0x1] =	stream.indirect_vreg.gather [hbm4b:s3+s2], $0x80, v7, vm0, $0xb8;
	[tilespmem:$0x10600] =	vst v63  }
0x128: {  	_ = 	snop  }
0x129: {  	[tilespmem:s0], [sflag:$0x1] =	stream.indirect_vreg.gather [hbm4b:s4+s2], $0x80, v7, vm0, $0xb8;
	[tilespmem:$0x10600] =	vst v63  }
0x12a: {  	s21 =	simm.s32 $0x7400  }
0x12b: {  	[tilespmem:s21], [sflag:$0x1] =	stream.indirect_vreg.gather [hbm4b:s5+s2], $0x80, v7, vm0, $0xb8;
	[tilespmem:$0x10600] =	vst v63  }
0x12c: {  	_ = 	snop  }
0x12d: {  	[tilespmem:s13], [sflag:$0x1] =	stream.indirect_vreg.gather [hbm4b:s6+s2], $0x80, v7, vm0, $0xb8;
	[tilespmem:$0x10600] =	vst v63  }
0x12e: {  	v7 =	vld [tilespmem:$0xA0];
	_ =	sdelay $0x4  }
0x12f: {  	v8 =	vshll.u32 v7, $0x3  }
0x130: {  	v7 =	vand.u32 $0x7, v7;
	v8 =	vand.u32 $0xFFFFFFC0, v8  }
0x131: {  	v7 =	vor.u32 v7, v8  }
0x132: {  	v8 =	vperm.xlane v7, v0;
	_ =	sdelay $0x1  }
0x133: {  	v8 =	vadd.s32 v1, v8;
	_ =	sdelay $0x3  }
0x134: {  	s25 =	simm.s32 $0x8400  }
0x135: {  	[tilespmem:s25], [sflag:$0x1] =	stream.indirect_vreg.gather [hbm4b:s3+s2], $0x80, v8, vm0, $0xb8;
	[tilespmem:$0x10600] =	vst v63  }
0x136: {  	s26 =	simm.s32 $0x8C00;
	v7 =	vperm.xlane v7, v2  }
0x137: {  	[tilespmem:s26], [sflag:$0x1] =	stream.indirect_vreg.gather [hbm4b:s4+s2], $0x80, v8, vm0, $0xb8;
	[tilespmem:$0x10600] =	vst v63  }
0x138: {  	s22 =	simm.s32 $0x9400;
	v7 =	vadd.s32 v1, v7  }
0x139: {  	[tilespmem:s22], [sflag:$0x1] =	stream.indirect_vreg.gather [hbm4b:s5+s2], $0x80, v8, vm0, $0xb8;
	[tilespmem:$0x10600] =	vst v63  }
0x13a: {  	_ = 	snop  }
0x13b: {  	[tilespmem:s14], [sflag:$0x1] =	stream.indirect_vreg.gather [hbm4b:s6+s2], $0x80, v8, vm0, $0xb8;
	[tilespmem:$0x10600] =	vst v63  }
0x13c: {  	_ = 	snop  }
0x13d: {  	[tilespmem:s15], [sflag:$0x1] =	stream.indirect_vreg.gather [hbm4b:s3+s2], $0x80, v7, vm0, $0xb8;
	[tilespmem:$0x10600] =	vst v63  }
0x13e: {  	_ = 	snop  }
0x13f: {  	[tilespmem:s16], [sflag:$0x1] =	stream.indirect_vreg.gather [hbm4b:s4+s2], $0x80, v7, vm0, $0xb8;
	[tilespmem:$0x10600] =	vst v63  }
0x140: {  	_ = 	snop  }
0x141: {  	[tilespmem:s17], [sflag:$0x1] =	stream.indirect_vreg.gather [hbm4b:s5+s2], $0x80, v7, vm0, $0xb8;
	[tilespmem:$0x10600] =	vst v63  }
0x142: {  	s23 =	simm.s32 $0xBC00  }
0x143: {  	[tilespmem:s23], [sflag:$0x1] =	stream.indirect_vreg.gather [hbm4b:s6+s2], $0x80, v7, vm0, $0xb8;
	[tilespmem:$0x10600] =	vst v63  }
0x144: {  	v7 =	vld [tilespmem:$0xB0];
	_ =	sdelay $0x4  }
0x145: {  	v8 =	vshll.u32 v7, $0x3  }
0x146: {  	v7 =	vand.u32 $0x7, v7;
	v8 =	vand.u32 $0xFFFFFFC0, v8  }
0x147: {  	v7 =	vor.u32 v7, v8  }
0x148: {  	v8 =	vperm.xlane v7, v0;
	_ =	sdelay $0x1  }
0x149: {  	v8 =	vadd.s32 v1, v8;
	_ =	sdelay $0x4  }
0x14a: {  	[tilespmem:s10], [sflag:$0x1] =	stream.indirect_vreg.gather [hbm4b:s3+s2], $0x80, v8, vm0, $0xb8;
	[tilespmem:$0x10600] =	vst v63  }
0x14b: {  	v7 =	vperm.xlane v7, v2  }
0x14c: {  	[tilespmem:s11], [sflag:$0x1] =	stream.indirect_vreg.gather [hbm4b:s4+s2], $0x80, v8, vm0, $0xb8;
	[tilespmem:$0x10600] =	vst v63  }
0x14d: {  	v7 =	vadd.s32 v1, v7  }
0x14e: {  	[tilespmem:s1], [sflag:$0x1] =	stream.indirect_vreg.gather [hbm4b:s5+s2], $0x80, v8, vm0, $0xb8;
	[tilespmem:$0x10600] =	vst v63  }
0x14f: {  	s19 =	simm.s32 $0xDC00  }
0x150: {  	[tilespmem:s19], [sflag:$0x1] =	stream.indirect_vreg.gather [hbm4b:s6+s2], $0x80, v8, vm0, $0xb8;
	[tilespmem:$0x10600] =	vst v63  }
0x151: {  	_ = 	snop  }
0x152: {  	[tilespmem:s7], [sflag:$0x1] =	stream.indirect_vreg.gather [hbm4b:s3+s2], $0x80, v7, vm0, $0xb8;
	[tilespmem:$0x10600] =	vst v63  }
0x153: {  	s10 =	simm.s32 $0xEC00  }
0x154: {  	[tilespmem:s10], [sflag:$0x1] =	stream.indirect_vreg.gather [hbm4b:s4+s2], $0x80, v7, vm0, $0xb8;
	[tilespmem:$0x10600] =	vst v63  }
0x155: {  	_ = 	snop  }
0x156: {  	[tilespmem:s8], [sflag:$0x1] =	stream.indirect_vreg.gather [hbm4b:s5+s2], $0x80, v7, vm0, $0xb8;
	[tilespmem:$0x10600] =	vst v63  }
0x157: {  	s12 =	simm.s32 $0xFC00  }
0x158: {  	[tilespmem:s12], [sflag:$0x1] =	stream.indirect_vreg.gather [hbm4b:s6+s2], $0x80, v7, vm0, $0xb8;
	[tilespmem:$0x10600] =	vst v63  }
0x159: {  	_ =	swait.ge [sflag:s18], $0x10000  }
0x15a: {  	[sflag:s18] =	ssyncset.done $0x0  }
0x15b: {  	[sflag:s18] =	ssyncadd.s32 $0xFFFF0000  }
0x15c: {  	v7 =	vld [tilespmem:$0x280];
	_ =	sdelay $0x4  }
0x15d: {  	v8 =	vshll.u32 v7, $0x3  }
0x15e: {  	v19 =	vld [tilespmem:$0x290];
	v7 =	vand.u32 $0x7F, v7;
	v8 =	vand.u32 $0xFFFFFC00, v8  }
0x15f: {  	v7 =	vor.u32 v7, v8  }
0x160: {  	v7 =	vadd.s32 v3, v7;
	_ =	sdelay $0x2  }
0x161: {  	v8 =	vshll.u32 v19, $0x3  }
0x162: {  	v20 =	vld [tilespmem:$0x2A0];
	v9 =	vand.u32 $0x7F, v19;
	v8 =	vand.u32 $0xFFFFFC00, v8  }
0x163: {  	v8 =	vor.u32 v9, v8;
	v7 =	vld.idx.msk [tilespmem:v7+s9+$0x0], $0xffff  }
0x164: {  	v8 =	vadd.s32 v4, v8;
	_ =	sdelay $0x2  }
0x165: {  	v21 =	vshll.u32 v20, $0x3  }
0x166: {  	v22 =	vld [tilespmem:$0x2B0];
	v9 =	vand.u32 $0xFFFFFC00, v21;
	[tilespmem:$0x10480] =	vst v7;
	v7 =	vand.u32 $0x7F, v20  }
0x167: {  	v8 =	vld.idx.msk [tilespmem:v8+s9+$0x0], $0xffff;
	v7 =	vor.u32 v7, v9  }
0x168: {  	v7 =	vadd.s32 v5, v7;
	_ =	sdelay $0x1  }
0x169: {  	v23 =	vld [tilespmem:$0xC0]  }
0x16a: {  	v24 =	vshll.u32 v22, $0x3  }
0x16b: {  	v25 =	vand.u32 $0xFFFFFC00, v24;
	[tilespmem:$0x10490] =	vst v8;
	v8 =	vand.u32 $0x7F, v22  }
0x16c: {  	v7 =	vld.idx.msk [tilespmem:v7+s9+$0x0], $0xffff;
	v8 =	vor.u32 v8, v25  }
0x16d: {  	v8 =	vadd.s32 v6, v8  }
0x16e: {  	v26 =	vshll.u32 v23, $0x3  }
0x16f: {  	v10 =	vand.u32 $0xFFFFFFC0, v26;
	v9 =	vand.u32 $0x7, v23  }
0x170: {  	v9 =	vor.u32 v9, v10  }
0x171: {  	[tilespmem:$0x104A0] =	vst v7;
	v7 =	vperm.xlane v9, v0  }
0x172: {  	v8 =	vld.idx.msk [tilespmem:v8+s9+$0x0], $0xffff  }
0x173: {  	v7 =	vadd.s32 v1, v7;
	_ =	sdelay $0x3  }
0x174: {  	[tilespmem:$0x104B0] =	vst v8  }
0x175: {  	[tilespmem:s9], [sflag:$0x1] =	stream.indirect_vreg.gather [hbm4b:s3+s2], $0x80, v7, vm0, $0xb8;
	[tilespmem:$0x10600] =	vst v63  }
0x176: {  	s28 =	simm.s32 $0xC00;
	v8 =	vperm.xlane v9, v2  }
0x177: {  	[tilespmem:s28], [sflag:$0x1] =	stream.indirect_vreg.gather [hbm4b:s4+s2], $0x80, v7, vm0, $0xb8;
	[tilespmem:$0x10600] =	vst v63  }
0x178: {  	s29 =	simm.s32 $0x1400;
	v8 =	vadd.s32 v1, v8  }
0x179: {  	[tilespmem:s29], [sflag:$0x1] =	stream.indirect_vreg.gather [hbm4b:s5+s2], $0x80, v7, vm0, $0xb8;
	[tilespmem:$0x10600] =	vst v63  }
0x17a: {  	s24 =	simm.s32 $0x1C00  }
0x17b: {  	[tilespmem:s24], [sflag:$0x1] =	stream.indirect_vreg.gather [hbm4b:s6+s2], $0x80, v7, vm0, $0xb8;
	[tilespmem:$0x10600] =	vst v63  }
0x17c: {  	s29 =	simm.s32 $0x2400  }
0x17d: {  	[tilespmem:s29], [sflag:$0x1] =	stream.indirect_vreg.gather [hbm4b:s3+s2], $0x80, v8, vm0, $0xb8;
	[tilespmem:$0x10600] =	vst v63  }
0x17e: {  	s29 =	simm.s32 $0x2C00  }
0x17f: {  	[tilespmem:s29], [sflag:$0x1] =	stream.indirect_vreg.gather [hbm4b:s4+s2], $0x80, v8, vm0, $0xb8;
	[tilespmem:$0x10600] =	vst v63  }
0x180: {  	s29 =	simm.s32 $0x3400  }
0x181: {  	[tilespmem:s29], [sflag:$0x1] =	stream.indirect_vreg.gather [hbm4b:s5+s2], $0x80, v8, vm0, $0xb8;
	[tilespmem:$0x10600] =	vst v63  }
0x182: {  	s29 =	simm.s32 $0x3C00  }
0x183: {  	[tilespmem:s29], [sflag:$0x1] =	stream.indirect_vreg.gather [hbm4b:s6+s2], $0x80, v8, vm0, $0xb8;
	[tilespmem:$0x10600] =	vst v63  }
0x184: {  	v7 =	vld [tilespmem:$0xD0];
	_ =	sdelay $0x4  }
0x185: {  	v8 =	vshll.u32 v7, $0x3  }
0x186: {  	v7 =	vand.u32 $0x7, v7;
	v8 =	vand.u32 $0xFFFFFFC0, v8  }
0x187: {  	v7 =	vor.u32 v7, v8  }
0x188: {  	v8 =	vperm.xlane v7, v0;
	_ =	sdelay $0x1  }
0x189: {  	v8 =	vadd.s32 v1, v8;
	_ =	sdelay $0x3  }
0x18a: {  	s29 =	simm.s32 $0x4400  }
0x18b: {  	[tilespmem:s29], [sflag:$0x1] =	stream.indirect_vreg.gather [hbm4b:s3+s2], $0x80, v8, vm0, $0xb8;
	[tilespmem:$0x10600] =	vst v63  }
0x18c: {  	v7 =	vperm.xlane v7, v2;
	s29 =	simm.s32 $0x4C00  }
0x18d: {  	[tilespmem:s29], [sflag:$0x1] =	stream.indirect_vreg.gather [hbm4b:s4+s2], $0x80, v8, vm0, $0xb8;
	[tilespmem:$0x10600] =	vst v63  }
0x18e: {  	v7 =	vadd.s32 v1, v7;
	s29 =	simm.s32 $0x5400  }
0x18f: {  	[tilespmem:s29], [sflag:$0x1] =	stream.indirect_vreg.gather [hbm4b:s5+s2], $0x80, v8, vm0, $0xb8;
	[tilespmem:$0x10600] =	vst v63  }
0x190: {  	s29 =	simm.s32 $0x5C00  }
0x191: {  	[tilespmem:s29], [sflag:$0x1] =	stream.indirect_vreg.gather [hbm4b:s6+s2], $0x80, v8, vm0, $0xb8;
	[tilespmem:$0x10600] =	vst v63  }
0x192: {  	s31 =	simm.s32 $0x6400  }
0x193: {  	[tilespmem:s31], [sflag:$0x1] =	stream.indirect_vreg.gather [hbm4b:s3+s2], $0x80, v7, vm0, $0xb8;
	[tilespmem:$0x10600] =	vst v63  }
0x194: {  	s30 =	simm.s32 $0x6C00  }
0x195: {  	[tilespmem:s30], [sflag:$0x1] =	stream.indirect_vreg.gather [hbm4b:s4+s2], $0x80, v7, vm0, $0xb8;
	[tilespmem:$0x10600] =	vst v63  }
0x196: {  	s0 =	simm.s32 $0x7400  }
0x197: {  	[tilespmem:s0], [sflag:$0x1] =	stream.indirect_vreg.gather [hbm4b:s5+s2], $0x80, v7, vm0, $0xb8;
	[tilespmem:$0x10600] =	vst v63  }
0x198: {  	s21 =	simm.s32 $0x7C00  }
0x199: {  	[tilespmem:s21], [sflag:$0x1] =	stream.indirect_vreg.gather [hbm4b:s6+s2], $0x80, v7, vm0, $0xb8;
	[tilespmem:$0x10600] =	vst v63  }
0x19a: {  	v7 =	vld [tilespmem:$0xE0];
	_ =	sdelay $0x4  }
0x19b: {  	v8 =	vshll.u32 v7, $0x3  }
0x19c: {  	v7 =	vand.u32 $0x7, v7;
	v8 =	vand.u32 $0xFFFFFFC0, v8  }
0x19d: {  	v7 =	vor.u32 v7, v8  }
0x19e: {  	v8 =	vperm.xlane v7, v0;
	_ =	sdelay $0x1  }
0x19f: {  	v8 =	vadd.s32 v1, v8;
	_ =	sdelay $0x3  }
0x1a0: {  	s20 =	simm.s32 $0x8400  }
0x1a1: {  	[tilespmem:s20], [sflag:$0x1] =	stream.indirect_vreg.gather [hbm4b:s3+s2], $0x80, v8, vm0, $0xb8;
	[tilespmem:$0x10600] =	vst v63  }
0x1a2: {  	s26 =	simm.s32 $0x8C00;
	v7 =	vperm.xlane v7, v2  }
0x1a3: {  	[tilespmem:s26], [sflag:$0x1] =	stream.indirect_vreg.gather [hbm4b:s4+s2], $0x80, v8, vm0, $0xb8;
	[tilespmem:$0x10600] =	vst v63  }
0x1a4: {  	s13 =	simm.s32 $0x9400;
	v7 =	vadd.s32 v1, v7  }
0x1a5: {  	[tilespmem:s13], [sflag:$0x1] =	stream.indirect_vreg.gather [hbm4b:s5+s2], $0x80, v8, vm0, $0xb8;
	[tilespmem:$0x10600] =	vst v63  }
0x1a6: {  	s14 =	simm.s32 $0x9C00  }
0x1a7: {  	[tilespmem:s14], [sflag:$0x1] =	stream.indirect_vreg.gather [hbm4b:s6+s2], $0x80, v8, vm0, $0xb8;
	[tilespmem:$0x10600] =	vst v63  }
0x1a8: {  	s15 =	simm.s32 $0xA400  }
0x1a9: {  	[tilespmem:s15], [sflag:$0x1] =	stream.indirect_vreg.gather [hbm4b:s3+s2], $0x80, v7, vm0, $0xb8;
	[tilespmem:$0x10600] =	vst v63  }
0x1aa: {  	s16 =	simm.s32 $0xAC00  }
0x1ab: {  	[tilespmem:s16], [sflag:$0x1] =	stream.indirect_vreg.gather [hbm4b:s4+s2], $0x80, v7, vm0, $0xb8;
	[tilespmem:$0x10600] =	vst v63  }
0x1ac: {  	s17 =	simm.s32 $0xB400  }
0x1ad: {  	[tilespmem:s17], [sflag:$0x1] =	stream.indirect_vreg.gather [hbm4b:s5+s2], $0x80, v7, vm0, $0xb8;
	[tilespmem:$0x10600] =	vst v63  }
0x1ae: {  	s25 =	simm.s32 $0xBC00  }
0x1af: {  	[tilespmem:s25], [sflag:$0x1] =	stream.indirect_vreg.gather [hbm4b:s6+s2], $0x80, v7, vm0, $0xb8;
	[tilespmem:$0x10600] =	vst v63  }
0x1b0: {  	v7 =	vld [tilespmem:$0xF0];
	_ =	sdelay $0x4  }
0x1b1: {  	v8 =	vshll.u32 v7, $0x3  }
0x1b2: {  	v7 =	vand.u32 $0x7, v7;
	v8 =	vand.u32 $0xFFFFFFC0, v8  }
0x1b3: {  	v7 =	vor.u32 v7, v8  }
0x1b4: {  	v8 =	vperm.xlane v7, v0;
	_ =	sdelay $0x1  }
0x1b5: {  	v8 =	vadd.s32 v1, v8;
	_ =	sdelay $0x3  }
0x1b6: {  	s22 =	simm.s32 $0xC400  }
0x1b7: {  	[tilespmem:s22], [sflag:$0x1] =	stream.indirect_vreg.gather [hbm4b:s3+s2], $0x80, v8, vm0, $0xb8;
	[tilespmem:$0x10600] =	vst v63  }
0x1b8: {  	s11 =	simm.s32 $0xCC00;
	v7 =	vperm.xlane v7, v2  }
0x1b9: {  	[tilespmem:s11], [sflag:$0x1] =	stream.indirect_vreg.gather [hbm4b:s4+s2], $0x80, v8, vm0, $0xb8;
	[tilespmem:$0x10600] =	vst v63  }
0x1ba: {  	s23 =	simm.s32 $0xD400;
	v7 =	vadd.s32 v1, v7  }
0x1bb: {  	[tilespmem:s23], [sflag:$0x1] =	stream.indirect_vreg.gather [hbm4b:s5+s2], $0x80, v8, vm0, $0xb8;
	[tilespmem:$0x10600] =	vst v63  }
0x1bc: {  	s19 =	simm.s32 $0xDC00  }
0x1bd: {  	[tilespmem:s19], [sflag:$0x1] =	stream.indirect_vreg.gather [hbm4b:s6+s2], $0x80, v8, vm0, $0xb8;
	[tilespmem:$0x10600] =	vst v63  }
0x1be: {  	s7 =	simm.s32 $0xE400  }
0x1bf: {  	[tilespmem:s7], [sflag:$0x1] =	stream.indirect_vreg.gather [hbm4b:s3+s2], $0x80, v7, vm0, $0xb8;
	[tilespmem:$0x10600] =	vst v63  }
0x1c0: {  	s1 =	simm.s32 $0xEC00  }
0x1c1: {  	[tilespmem:s1], [sflag:$0x1] =	stream.indirect_vreg.gather [hbm4b:s4+s2], $0x80, v7, vm0, $0xb8;
	[tilespmem:$0x10600] =	vst v63  }
0x1c2: {  	s8 =	simm.s32 $0xF400  }
0x1c3: {  	[tilespmem:s8], [sflag:$0x1] =	stream.indirect_vreg.gather [hbm4b:s5+s2], $0x80, v7, vm0, $0xb8;
	[tilespmem:$0x10600] =	vst v63  }
0x1c4: {  	s10 =	simm.s32 $0xFC00  }
0x1c5: {  	[tilespmem:s10], [sflag:$0x1] =	stream.indirect_vreg.gather [hbm4b:s6+s2], $0x80, v7, vm0, $0xb8;
	[tilespmem:$0x10600] =	vst v63  }
0x1c6: {  	_ =	swait.ge [sflag:s18], $0x10000  }
0x1c7: {  	[sflag:s18] =	ssyncset.done $0x0  }
0x1c8: {  	[sflag:s18] =	ssyncadd.s32 $0xFFFF0000  }
0x1c9: {  	v7 =	vld [tilespmem:$0x2C0];
	_ =	sdelay $0x4  }
0x1ca: {  	v8 =	vshll.u32 v7, $0x3  }
0x1cb: {  	v27 =	vld [tilespmem:$0x2D0];
	v7 =	vand.u32 $0x7F, v7;
	v8 =	vand.u32 $0xFFFFFC00, v8  }
0x1cc: {  	v7 =	vor.u32 v7, v8  }
0x1cd: {  	v7 =	vadd.s32 v3, v7;
	_ =	sdelay $0x2  }
0x1ce: {  	v8 =	vshll.u32 v27, $0x3  }
0x1cf: {  	v28 =	vld [tilespmem:$0x2E0];
	v9 =	vand.u32 $0x7F, v27;
	v8 =	vand.u32 $0xFFFFFC00, v8  }
0x1d0: {  	v8 =	vor.u32 v9, v8;
	v7 =	vld.idx.msk [tilespmem:v7+s9+$0x0], $0xffff  }
0x1d1: {  	v8 =	vadd.s32 v4, v8;
	_ =	sdelay $0x2  }
0x1d2: {  	v29 =	vshll.u32 v28, $0x3  }
0x1d3: {  	v30 =	vld [tilespmem:$0x2F0];
	v9 =	vand.u32 $0xFFFFFC00, v29;
	[tilespmem:$0x104C0] =	vst v7;
	v7 =	vand.u32 $0x7F, v28  }
0x1d4: {  	v8 =	vld.idx.msk [tilespmem:v8+s9+$0x0], $0xffff;
	v7 =	vor.u32 v7, v9  }
0x1d5: {  	v7 =	vadd.s32 v5, v7;
	_ =	sdelay $0x1  }
0x1d6: {  	v31 =	vld [tilespmem:$0x100]  }
0x1d7: {  	v32 =	vshll.u32 v30, $0x3  }
0x1d8: {  	v33 =	vand.u32 $0xFFFFFC00, v32;
	[tilespmem:$0x104D0] =	vst v8;
	v8 =	vand.u32 $0x7F, v30  }
0x1d9: {  	v7 =	vld.idx.msk [tilespmem:v7+s9+$0x0], $0xffff;
	v8 =	vor.u32 v8, v33  }
0x1da: {  	v8 =	vadd.s32 v6, v8  }
0x1db: {  	v34 =	vshll.u32 v31, $0x3  }
0x1dc: {  	v10 =	vand.u32 $0xFFFFFFC0, v34;
	v9 =	vand.u32 $0x7, v31  }
0x1dd: {  	v9 =	vor.u32 v9, v10  }
0x1de: {  	[tilespmem:$0x104E0] =	vst v7;
	v7 =	vperm.xlane v9, v0  }
0x1df: {  	v8 =	vld.idx.msk [tilespmem:v8+s9+$0x0], $0xffff  }
0x1e0: {  	v7 =	vadd.s32 v1, v7;
	_ =	sdelay $0x3  }
0x1e1: {  	[tilespmem:$0x104F0] =	vst v8  }
0x1e2: {  	[tilespmem:s9], [sflag:$0x1] =	stream.indirect_vreg.gather [hbm4b:s3+s2], $0x80, v7, vm0, $0xb8;
	[tilespmem:$0x10600] =	vst v63  }
0x1e3: {  	s12 =	simm.s32 $0xC00;
	v8 =	vperm.xlane v9, v2  }
0x1e4: {  	[tilespmem:s12], [sflag:$0x1] =	stream.indirect_vreg.gather [hbm4b:s4+s2], $0x80, v7, vm0, $0xb8;
	[tilespmem:$0x10600] =	vst v63  }
0x1e5: {  	s28 =	simm.s32 $0x1400;
	v8 =	vadd.s32 v1, v8  }
0x1e6: {  	[tilespmem:s28], [sflag:$0x1] =	stream.indirect_vreg.gather [hbm4b:s5+s2], $0x80, v7, vm0, $0xb8;
	[tilespmem:$0x10600] =	vst v63  }
0x1e7: {  	s24 =	simm.s32 $0x1C00  }
0x1e8: {  	[tilespmem:s24], [sflag:$0x1] =	stream.indirect_vreg.gather [hbm4b:s6+s2], $0x80, v7, vm0, $0xb8;
	[tilespmem:$0x10600] =	vst v63  }
0x1e9: {  	s28 =	simm.s32 $0x2400  }
0x1ea: {  	[tilespmem:s28], [sflag:$0x1] =	stream.indirect_vreg.gather [hbm4b:s3+s2], $0x80, v8, vm0, $0xb8;
	[tilespmem:$0x10600] =	vst v63  }
0x1eb: {  	s28 =	simm.s32 $0x2C00  }
0x1ec: {  	[tilespmem:s28], [sflag:$0x1] =	stream.indirect_vreg.gather [hbm4b:s4+s2], $0x80, v8, vm0, $0xb8;
	[tilespmem:$0x10600] =	vst v63  }
0x1ed: {  	s28 =	simm.s32 $0x3400  }
0x1ee: {  	[tilespmem:s28], [sflag:$0x1] =	stream.indirect_vreg.gather [hbm4b:s5+s2], $0x80, v8, vm0, $0xb8;
	[tilespmem:$0x10600] =	vst v63  }
0x1ef: {  	s28 =	simm.s32 $0x3C00  }
0x1f0: {  	[tilespmem:s28], [sflag:$0x1] =	stream.indirect_vreg.gather [hbm4b:s6+s2], $0x80, v8, vm0, $0xb8;
	[tilespmem:$0x10600] =	vst v63  }
0x1f1: {  	v7 =	vld [tilespmem:$0x110];
	_ =	sdelay $0x4  }
0x1f2: {  	v8 =	vshll.u32 v7, $0x3  }
0x1f3: {  	v7 =	vand.u32 $0x7, v7;
	v8 =	vand.u32 $0xFFFFFFC0, v8  }
0x1f4: {  	v7 =	vor.u32 v7, v8  }
0x1f5: {  	v8 =	vperm.xlane v7, v0;
	_ =	sdelay $0x1  }
0x1f6: {  	v8 =	vadd.s32 v1, v8;
	_ =	sdelay $0x3  }
0x1f7: {  	s28 =	simm.s32 $0x4400  }
0x1f8: {  	[tilespmem:s28], [sflag:$0x1] =	stream.indirect_vreg.gather [hbm4b:s3+s2], $0x80, v8, vm0, $0xb8;
	[tilespmem:$0x10600] =	vst v63  }
0x1f9: {  	v7 =	vperm.xlane v7, v2;
	s28 =	simm.s32 $0x4C00  }
0x1fa: {  	[tilespmem:s28], [sflag:$0x1] =	stream.indirect_vreg.gather [hbm4b:s4+s2], $0x80, v8, vm0, $0xb8;
	[tilespmem:$0x10600] =	vst v63  }
0x1fb: {  	v7 =	vadd.s32 v1, v7;
	s28 =	simm.s32 $0x5400  }
0x1fc: {  	[tilespmem:s28], [sflag:$0x1] =	stream.indirect_vreg.gather [hbm4b:s5+s2], $0x80, v8, vm0, $0xb8;
	[tilespmem:$0x10600] =	vst v63  }
0x1fd: {  	s29 =	simm.s32 $0x5C00  }
0x1fe: {  	[tilespmem:s29], [sflag:$0x1] =	stream.indirect_vreg.gather [hbm4b:s6+s2], $0x80, v8, vm0, $0xb8;
	[tilespmem:$0x10600] =	vst v63  }
0x1ff: {  	s29 =	simm.s32 $0x6400  }
0x200: {  	[tilespmem:s29], [sflag:$0x1] =	stream.indirect_vreg.gather [hbm4b:s3+s2], $0x80, v7, vm0, $0xb8;
	[tilespmem:$0x10600] =	vst v63  }
0x201: {  	s30 =	simm.s32 $0x6C00  }
0x202: {  	[tilespmem:s30], [sflag:$0x1] =	stream.indirect_vreg.gather [hbm4b:s4+s2], $0x80, v7, vm0, $0xb8;
	[tilespmem:$0x10600] =	vst v63  }
0x203: {  	s0 =	simm.s32 $0x7400  }
0x204: {  	[tilespmem:s0], [sflag:$0x1] =	stream.indirect_vreg.gather [hbm4b:s5+s2], $0x80, v7, vm0, $0xb8;
	[tilespmem:$0x10600] =	vst v63  }
0x205: {  	s21 =	simm.s32 $0x7C00  }
0x206: {  	[tilespmem:s21], [sflag:$0x1] =	stream.indirect_vreg.gather [hbm4b:s6+s2], $0x80, v7, vm0, $0xb8;
	[tilespmem:$0x10600] =	vst v63  }
0x207: {  	v7 =	vld [tilespmem:$0x120];
	_ =	sdelay $0x4  }
0x208: {  	v8 =	vshll.u32 v7, $0x3  }
0x209: {  	v7 =	vand.u32 $0x7, v7;
	v8 =	vand.u32 $0xFFFFFFC0, v8  }
0x20a: {  	v7 =	vor.u32 v7, v8  }
0x20b: {  	v8 =	vperm.xlane v7, v0;
	_ =	sdelay $0x1  }
0x20c: {  	v8 =	vadd.s32 v1, v8;
	_ =	sdelay $0x3  }
0x20d: {  	s20 =	simm.s32 $0x8400  }
0x20e: {  	[tilespmem:s20], [sflag:$0x1] =	stream.indirect_vreg.gather [hbm4b:s3+s2], $0x80, v8, vm0, $0xb8;
	[tilespmem:$0x10600] =	vst v63  }
0x20f: {  	s31 =	simm.s32 $0x8C00;
	v7 =	vperm.xlane v7, v2  }
0x210: {  	[tilespmem:s31], [sflag:$0x1] =	stream.indirect_vreg.gather [hbm4b:s4+s2], $0x80, v8, vm0, $0xb8;
	[tilespmem:$0x10600] =	vst v63  }
0x211: {  	s13 =	simm.s32 $0x9400;
	v7 =	vadd.s32 v1, v7  }
0x212: {  	[tilespmem:s13], [sflag:$0x1] =	stream.indirect_vreg.gather [hbm4b:s5+s2], $0x80, v8, vm0, $0xb8;
	[tilespmem:$0x10600] =	vst v63  }
0x213: {  	s14 =	simm.s32 $0x9C00  }
0x214: {  	[tilespmem:s14], [sflag:$0x1] =	stream.indirect_vreg.gather [hbm4b:s6+s2], $0x80, v8, vm0, $0xb8;
	[tilespmem:$0x10600] =	vst v63  }
0x215: {  	s15 =	simm.s32 $0xA400  }
0x216: {  	[tilespmem:s15], [sflag:$0x1] =	stream.indirect_vreg.gather [hbm4b:s3+s2], $0x80, v7, vm0, $0xb8;
	[tilespmem:$0x10600] =	vst v63  }
0x217: {  	s16 =	simm.s32 $0xAC00  }
0x218: {  	[tilespmem:s16], [sflag:$0x1] =	stream.indirect_vreg.gather [hbm4b:s4+s2], $0x80, v7, vm0, $0xb8;
	[tilespmem:$0x10600] =	vst v63  }
0x219: {  	s17 =	simm.s32 $0xB400  }
0x21a: {  	[tilespmem:s17], [sflag:$0x1] =	stream.indirect_vreg.gather [hbm4b:s5+s2], $0x80, v7, vm0, $0xb8;
	[tilespmem:$0x10600] =	vst v63  }
0x21b: {  	s26 =	simm.s32 $0xBC00  }
0x21c: {  	[tilespmem:s26], [sflag:$0x1] =	stream.indirect_vreg.gather [hbm4b:s6+s2], $0x80, v7, vm0, $0xb8;
	[tilespmem:$0x10600] =	vst v63  }
0x21d: {  	v7 =	vld [tilespmem:$0x130];
	_ =	sdelay $0x4  }
0x21e: {  	v8 =	vshll.u32 v7, $0x3  }
0x21f: {  	v7 =	vand.u32 $0x7, v7;
	v8 =	vand.u32 $0xFFFFFFC0, v8  }
0x220: {  	v7 =	vor.u32 v7, v8  }
0x221: {  	v8 =	vperm.xlane v7, v0;
	_ =	sdelay $0x1  }
0x222: {  	v8 =	vadd.s32 v1, v8;
	_ =	sdelay $0x3  }
0x223: {  	s25 =	simm.s32 $0xC400  }
0x224: {  	[tilespmem:s25], [sflag:$0x1] =	stream.indirect_vreg.gather [hbm4b:s3+s2], $0x80, v8, vm0, $0xb8;
	[tilespmem:$0x10600] =	vst v63  }
0x225: {  	s11 =	simm.s32 $0xCC00;
	v7 =	vperm.xlane v7, v2  }
0x226: {  	[tilespmem:s11], [sflag:$0x1] =	stream.indirect_vreg.gather [hbm4b:s4+s2], $0x80, v8, vm0, $0xb8;
	[tilespmem:$0x10600] =	vst v63  }
0x227: {  	s22 =	simm.s32 $0xD400;
	v7 =	vadd.s32 v1, v7  }
0x228: {  	[tilespmem:s22], [sflag:$0x1] =	stream.indirect_vreg.gather [hbm4b:s5+s2], $0x80, v8, vm0, $0xb8;
	[tilespmem:$0x10600] =	vst v63  }
0x229: {  	s19 =	simm.s32 $0xDC00  }
0x22a: {  	[tilespmem:s19], [sflag:$0x1] =	stream.indirect_vreg.gather [hbm4b:s6+s2], $0x80, v8, vm0, $0xb8;
	[tilespmem:$0x10600] =	vst v63  }
0x22b: {  	s7 =	simm.s32 $0xE400  }
0x22c: {  	[tilespmem:s7], [sflag:$0x1] =	stream.indirect_vreg.gather [hbm4b:s3+s2], $0x80, v7, vm0, $0xb8;
	[tilespmem:$0x10600] =	vst v63  }
0x22d: {  	s1 =	simm.s32 $0xEC00  }
0x22e: {  	[tilespmem:s1], [sflag:$0x1] =	stream.indirect_vreg.gather [hbm4b:s4+s2], $0x80, v7, vm0, $0xb8;
	[tilespmem:$0x10600] =	vst v63  }
0x22f: {  	s8 =	simm.s32 $0xF400  }
0x230: {  	[tilespmem:s8], [sflag:$0x1] =	stream.indirect_vreg.gather [hbm4b:s5+s2], $0x80, v7, vm0, $0xb8;
	[tilespmem:$0x10600] =	vst v63  }
0x231: {  	s10 =	simm.s32 $0xFC00  }
0x232: {  	[tilespmem:s10], [sflag:$0x1] =	stream.indirect_vreg.gather [hbm4b:s6+s2], $0x80, v7, vm0, $0xb8;
	[tilespmem:$0x10600] =	vst v63  }
0x233: {  	_ =	swait.ge [sflag:s18], $0x10000  }
0x234: {  	[sflag:s18] =	ssyncset.done $0x0  }
0x235: {  	[sflag:s18] =	ssyncadd.s32 $0xFFFF0000  }
0x236: {  	v7 =	vld [tilespmem:$0x300];
	_ =	sdelay $0x4  }
0x237: {  	v8 =	vshll.u32 v7, $0x3  }
0x238: {  	v35 =	vld [tilespmem:$0x310];
	v7 =	vand.u32 $0x7F, v7;
	v8 =	vand.u32 $0xFFFFFC00, v8  }
0x239: {  	v7 =	vor.u32 v7, v8  }
0x23a: {  	v7 =	vadd.s32 v3, v7;
	_ =	sdelay $0x2  }
0x23b: {  	v8 =	vshll.u32 v35, $0x3  }
0x23c: {  	v36 =	vld [tilespmem:$0x320];
	v9 =	vand.u32 $0x7F, v35;
	v8 =	vand.u32 $0xFFFFFC00, v8  }
0x23d: {  	v8 =	vor.u32 v9, v8;
	v7 =	vld.idx.msk [tilespmem:v7+s9+$0x0], $0xffff  }
0x23e: {  	v8 =	vadd.s32 v4, v8;
	_ =	sdelay $0x2  }
0x23f: {  	v37 =	vshll.u32 v36, $0x3  }
0x240: {  	v38 =	vld [tilespmem:$0x330];
	v9 =	vand.u32 $0xFFFFFC00, v37;
	[tilespmem:$0x10500] =	vst v7;
	v7 =	vand.u32 $0x7F, v36  }
0x241: {  	v8 =	vld.idx.msk [tilespmem:v8+s9+$0x0], $0xffff;
	v7 =	vor.u32 v7, v9  }
0x242: {  	v7 =	vadd.s32 v5, v7;
	_ =	sdelay $0x1  }
0x243: {  	v39 =	vld [tilespmem:$0x140]  }
0x244: {  	v40 =	vshll.u32 v38, $0x3  }
0x245: {  	v41 =	vand.u32 $0xFFFFFC00, v40;
	[tilespmem:$0x10510] =	vst v8;
	v8 =	vand.u32 $0x7F, v38  }
0x246: {  	v7 =	vld.idx.msk [tilespmem:v7+s9+$0x0], $0xffff;
	v8 =	vor.u32 v8, v41  }
0x247: {  	v8 =	vadd.s32 v6, v8  }
0x248: {  	v42 =	vshll.u32 v39, $0x3  }
0x249: {  	v10 =	vand.u32 $0xFFFFFFC0, v42;
	v9 =	vand.u32 $0x7, v39  }
0x24a: {  	v9 =	vor.u32 v9, v10  }
0x24b: {  	[tilespmem:$0x10520] =	vst v7;
	v7 =	vperm.xlane v9, v0  }
0x24c: {  	v8 =	vld.idx.msk [tilespmem:v8+s9+$0x0], $0xffff  }
0x24d: {  	v7 =	vadd.s32 v1, v7;
	_ =	sdelay $0x3  }
0x24e: {  	[tilespmem:$0x10530] =	vst v8  }
0x24f: {  	[tilespmem:s9], [sflag:$0x1] =	stream.indirect_vreg.gather [hbm4b:s3+s2], $0x80, v7, vm0, $0xb8;
	[tilespmem:$0x10600] =	vst v63  }
0x250: {  	s12 =	simm.s32 $0xC00;
	v8 =	vperm.xlane v9, v2  }
0x251: {  	[tilespmem:s12], [sflag:$0x1] =	stream.indirect_vreg.gather [hbm4b:s4+s2], $0x80, v7, vm0, $0xb8;
	[tilespmem:$0x10600] =	vst v63  }
0x252: {  	s23 =	simm.s32 $0x1400;
	v8 =	vadd.s32 v1, v8  }
0x253: {  	[tilespmem:s23], [sflag:$0x1] =	stream.indirect_vreg.gather [hbm4b:s5+s2], $0x80, v7, vm0, $0xb8;
	[tilespmem:$0x10600] =	vst v63  }
0x254: {  	s24 =	simm.s32 $0x1C00  }
0x255: {  	[tilespmem:s24], [sflag:$0x1] =	stream.indirect_vreg.gather [hbm4b:s6+s2], $0x80, v7, vm0, $0xb8;
	[tilespmem:$0x10600] =	vst v63  }
0x256: {  	s25 =	simm.s32 $0x2400  }
0x257: {  	[tilespmem:s25], [sflag:$0x1] =	stream.indirect_vreg.gather [hbm4b:s3+s2], $0x80, v8, vm0, $0xb8;
	[tilespmem:$0x10600] =	vst v63  }
0x258: {  	s24 =	simm.s32 $0x2C00  }
0x259: {  	[tilespmem:s24], [sflag:$0x1] =	stream.indirect_vreg.gather [hbm4b:s4+s2], $0x80, v8, vm0, $0xb8;
	[tilespmem:$0x10600] =	vst v63  }
0x25a: {  	s25 =	simm.s32 $0x3400  }
0x25b: {  	[tilespmem:s25], [sflag:$0x1] =	stream.indirect_vreg.gather [hbm4b:s5+s2], $0x80, v8, vm0, $0xb8;
	[tilespmem:$0x10600] =	vst v63  }
0x25c: {  	s24 =	simm.s32 $0x3C00  }
0x25d: {  	[tilespmem:s24], [sflag:$0x1] =	stream.indirect_vreg.gather [hbm4b:s6+s2], $0x80, v8, vm0, $0xb8;
	[tilespmem:$0x10600] =	vst v63  }
0x25e: {  	v7 =	vld [tilespmem:$0x150];
	_ =	sdelay $0x4  }
0x25f: {  	v8 =	vshll.u32 v7, $0x3  }
0x260: {  	v7 =	vand.u32 $0x7, v7;
	v8 =	vand.u32 $0xFFFFFFC0, v8  }
0x261: {  	v7 =	vor.u32 v7, v8  }
0x262: {  	v8 =	vperm.xlane v7, v0;
	_ =	sdelay $0x1  }
0x263: {  	v8 =	vadd.s32 v1, v8;
	_ =	sdelay $0x3  }
0x264: {  	s25 =	simm.s32 $0x4400  }
0x265: {  	[tilespmem:s25], [sflag:$0x1] =	stream.indirect_vreg.gather [hbm4b:s3+s2], $0x80, v8, vm0, $0xb8;
	[tilespmem:$0x10600] =	vst v63  }
0x266: {  	s24 =	simm.s32 $0x4C00;
	v7 =	vperm.xlane v7, v2  }
0x267: {  	[tilespmem:s24], [sflag:$0x1] =	stream.indirect_vreg.gather [hbm4b:s4+s2], $0x80, v8, vm0, $0xb8;
	[tilespmem:$0x10600] =	vst v63  }
0x268: {  	v7 =	vadd.s32 v1, v7;
	s25 =	simm.s32 $0x5400  }
0x269: {  	[tilespmem:s25], [sflag:$0x1] =	stream.indirect_vreg.gather [hbm4b:s5+s2], $0x80, v8, vm0, $0xb8;
	[tilespmem:$0x10600] =	vst v63  }
0x26a: {  	s28 =	simm.s32 $0x5C00  }
0x26b: {  	[tilespmem:s28], [sflag:$0x1] =	stream.indirect_vreg.gather [hbm4b:s6+s2], $0x80, v8, vm0, $0xb8;
	[tilespmem:$0x10600] =	vst v63  }
0x26c: {  	s28 =	simm.s32 $0x6400  }
0x26d: {  	[tilespmem:s28], [sflag:$0x1] =	stream.indirect_vreg.gather [hbm4b:s3+s2], $0x80, v7, vm0, $0xb8;
	[tilespmem:$0x10600] =	vst v63  }
0x26e: {  	s29 =	simm.s32 $0x6C00  }
0x26f: {  	[tilespmem:s29], [sflag:$0x1] =	stream.indirect_vreg.gather [hbm4b:s4+s2], $0x80, v7, vm0, $0xb8;
	[tilespmem:$0x10600] =	vst v63  }
0x270: {  	s0 =	simm.s32 $0x7400  }
0x271: {  	[tilespmem:s0], [sflag:$0x1] =	stream.indirect_vreg.gather [hbm4b:s5+s2], $0x80, v7, vm0, $0xb8;
	[tilespmem:$0x10600] =	vst v63  }
0x272: {  	s21 =	simm.s32 $0x7C00  }
0x273: {  	[tilespmem:s21], [sflag:$0x1] =	stream.indirect_vreg.gather [hbm4b:s6+s2], $0x80, v7, vm0, $0xb8;
	[tilespmem:$0x10600] =	vst v63  }
0x274: {  	v7 =	vld [tilespmem:$0x160];
	_ =	sdelay $0x4  }
0x275: {  	v8 =	vshll.u32 v7, $0x3  }
0x276: {  	v7 =	vand.u32 $0x7, v7;
	v8 =	vand.u32 $0xFFFFFFC0, v8  }
0x277: {  	v7 =	vor.u32 v7, v8  }
0x278: {  	v8 =	vperm.xlane v7, v0;
	_ =	sdelay $0x1  }
0x279: {  	v8 =	vadd.s32 v1, v8;
	_ =	sdelay $0x3  }
0x27a: {  	s29 =	simm.s32 $0x8400  }
0x27b: {  	[tilespmem:s29], [sflag:$0x1] =	stream.indirect_vreg.gather [hbm4b:s3+s2], $0x80, v8, vm0, $0xb8;
	[tilespmem:$0x10600] =	vst v63  }
0x27c: {  	s31 =	simm.s32 $0x8C00;
	v7 =	vperm.xlane v7, v2  }
0x27d: {  	[tilespmem:s31], [sflag:$0x1] =	stream.indirect_vreg.gather [hbm4b:s4+s2], $0x80, v8, vm0, $0xb8;
	[tilespmem:$0x10600] =	vst v63  }
0x27e: {  	s13 =	simm.s32 $0x9400;
	v7 =	vadd.s32 v1, v7  }
0x27f: {  	[tilespmem:s13], [sflag:$0x1] =	stream.indirect_vreg.gather [hbm4b:s5+s2], $0x80, v8, vm0, $0xb8;
	[tilespmem:$0x10600] =	vst v63  }
0x280: {  	s14 =	simm.s32 $0x9C00  }
0x281: {  	[tilespmem:s14], [sflag:$0x1] =	stream.indirect_vreg.gather [hbm4b:s6+s2], $0x80, v8, vm0, $0xb8;
	[tilespmem:$0x10600] =	vst v63  }
0x282: {  	s15 =	simm.s32 $0xA400  }
0x283: {  	[tilespmem:s15], [sflag:$0x1] =	stream.indirect_vreg.gather [hbm4b:s3+s2], $0x80, v7, vm0, $0xb8;
	[tilespmem:$0x10600] =	vst v63  }
0x284: {  	s16 =	simm.s32 $0xAC00  }
0x285: {  	[tilespmem:s16], [sflag:$0x1] =	stream.indirect_vreg.gather [hbm4b:s4+s2], $0x80, v7, vm0, $0xb8;
	[tilespmem:$0x10600] =	vst v63  }
0x286: {  	s17 =	simm.s32 $0xB400  }
0x287: {  	[tilespmem:s17], [sflag:$0x1] =	stream.indirect_vreg.gather [hbm4b:s5+s2], $0x80, v7, vm0, $0xb8;
	[tilespmem:$0x10600] =	vst v63  }
0x288: {  	s30 =	simm.s32 $0xBC00  }
0x289: {  	[tilespmem:s30], [sflag:$0x1] =	stream.indirect_vreg.gather [hbm4b:s6+s2], $0x80, v7, vm0, $0xb8;
	[tilespmem:$0x10600] =	vst v63  }
0x28a: {  	v7 =	vld [tilespmem:$0x170];
	_ =	sdelay $0x4  }
0x28b: {  	v8 =	vshll.u32 v7, $0x3  }
0x28c: {  	v7 =	vand.u32 $0x7, v7;
	v8 =	vand.u32 $0xFFFFFFC0, v8  }
0x28d: {  	v7 =	vor.u32 v7, v8  }
0x28e: {  	v8 =	vperm.xlane v7, v0;
	_ =	sdelay $0x1  }
0x28f: {  	v8 =	vadd.s32 v1, v8;
	_ =	sdelay $0x3  }
0x290: {  	s26 =	simm.s32 $0xC400  }
0x291: {  	[tilespmem:s26], [sflag:$0x1] =	stream.indirect_vreg.gather [hbm4b:s3+s2], $0x80, v8, vm0, $0xb8;
	[tilespmem:$0x10600] =	vst v63  }
0x292: {  	s20 =	simm.s32 $0xCC00;
	v7 =	vperm.xlane v7, v2  }
0x293: {  	[tilespmem:s20], [sflag:$0x1] =	stream.indirect_vreg.gather [hbm4b:s4+s2], $0x80, v8, vm0, $0xb8;
	[tilespmem:$0x10600] =	vst v63  }
0x294: {  	s22 =	simm.s32 $0xD400;
	v7 =	vadd.s32 v1, v7  }
0x295: {  	[tilespmem:s22], [sflag:$0x1] =	stream.indirect_vreg.gather [hbm4b:s5+s2], $0x80, v8, vm0, $0xb8;
	[tilespmem:$0x10600] =	vst v63  }
0x296: {  	s11 =	simm.s32 $0xDC00  }
0x297: {  	[tilespmem:s11], [sflag:$0x1] =	stream.indirect_vreg.gather [hbm4b:s6+s2], $0x80, v8, vm0, $0xb8;
	[tilespmem:$0x10600] =	vst v63  }
0x298: {  	s19 =	simm.s32 $0xE400  }
0x299: {  	[tilespmem:s19], [sflag:$0x1] =	stream.indirect_vreg.gather [hbm4b:s3+s2], $0x80, v7, vm0, $0xb8;
	[tilespmem:$0x10600] =	vst v63  }
0x29a: {  	s1 =	simm.s32 $0xEC00  }
0x29b: {  	[tilespmem:s1], [sflag:$0x1] =	stream.indirect_vreg.gather [hbm4b:s4+s2], $0x80, v7, vm0, $0xb8;
	[tilespmem:$0x10600] =	vst v63  }
0x29c: {  	s7 =	simm.s32 $0xF400  }
0x29d: {  	[tilespmem:s7], [sflag:$0x1] =	stream.indirect_vreg.gather [hbm4b:s5+s2], $0x80, v7, vm0, $0xb8;
	[tilespmem:$0x10600] =	vst v63  }
0x29e: {  	s8 =	simm.s32 $0xFC00  }
0x29f: {  	[tilespmem:s8], [sflag:$0x1] =	stream.indirect_vreg.gather [hbm4b:s6+s2], $0x80, v7, vm0, $0xb8;
	[tilespmem:$0x10600] =	vst v63  }
0x2a0: {  	_ =	swait.ge [sflag:s18], $0x10000  }
0x2a1: {  	[sflag:s18] =	ssyncset.done $0x0  }
0x2a2: {  	[sflag:s18] =	ssyncadd.s32 $0xFFFF0000  }
0x2a3: {  	v7 =	vld [tilespmem:$0x340];
	_ =	sdelay $0x4  }
0x2a4: {  	v8 =	vshll.u32 v7, $0x3  }
0x2a5: {  	v43 =	vld [tilespmem:$0x350];
	v7 =	vand.u32 $0x7F, v7;
	v8 =	vand.u32 $0xFFFFFC00, v8  }
0x2a6: {  	v7 =	vor.u32 v7, v8  }
0x2a7: {  	v7 =	vadd.s32 v3, v7;
	_ =	sdelay $0x2  }
0x2a8: {  	v8 =	vshll.u32 v43, $0x3  }
0x2a9: {  	v44 =	vld [tilespmem:$0x360];
	v9 =	vand.u32 $0x7F, v43;
	v8 =	vand.u32 $0xFFFFFC00, v8  }
0x2aa: {  	v8 =	vor.u32 v9, v8;
	v7 =	vld.idx.msk [tilespmem:v7+s9+$0x0], $0xffff  }
0x2ab: {  	v8 =	vadd.s32 v4, v8;
	_ =	sdelay $0x2  }
0x2ac: {  	v45 =	vshll.u32 v44, $0x3  }
0x2ad: {  	v46 =	vld [tilespmem:$0x370];
	v9 =	vand.u32 $0xFFFFFC00, v45;
	[tilespmem:$0x10540] =	vst v7;
	v7 =	vand.u32 $0x7F, v44  }
0x2ae: {  	v8 =	vld.idx.msk [tilespmem:v8+s9+$0x0], $0xffff;
	v7 =	vor.u32 v7, v9  }
0x2af: {  	v7 =	vadd.s32 v5, v7;
	_ =	sdelay $0x1  }
0x2b0: {  	v47 =	vld [tilespmem:$0x180]  }
0x2b1: {  	v48 =	vshll.u32 v46, $0x3  }
0x2b2: {  	v49 =	vand.u32 $0xFFFFFC00, v48;
	[tilespmem:$0x10550] =	vst v8;
	v8 =	vand.u32 $0x7F, v46  }
0x2b3: {  	v7 =	vld.idx.msk [tilespmem:v7+s9+$0x0], $0xffff;
	v8 =	vor.u32 v8, v49  }
0x2b4: {  	v8 =	vadd.s32 v6, v8  }
0x2b5: {  	v50 =	vshll.u32 v47, $0x3  }
0x2b6: {  	v10 =	vand.u32 $0xFFFFFFC0, v50;
	v9 =	vand.u32 $0x7, v47  }
0x2b7: {  	v9 =	vor.u32 v9, v10  }
0x2b8: {  	[tilespmem:$0x10560] =	vst v7;
	v7 =	vperm.xlane v9, v0  }
0x2b9: {  	v8 =	vld.idx.msk [tilespmem:v8+s9+$0x0], $0xffff  }
0x2ba: {  	v7 =	vadd.s32 v1, v7;
	_ =	sdelay $0x3  }
0x2bb: {  	[tilespmem:$0x10570] =	vst v8  }
0x2bc: {  	[tilespmem:s9], [sflag:$0x1] =	stream.indirect_vreg.gather [hbm4b:s3+s2], $0x80, v7, vm0, $0xb8;
	[tilespmem:$0x10600] =	vst v63  }
0x2bd: {  	s8 =	simm.s32 $0xC00;
	v8 =	vperm.xlane v9, v2  }
0x2be: {  	[tilespmem:s8], [sflag:$0x1] =	stream.indirect_vreg.gather [hbm4b:s4+s2], $0x80, v7, vm0, $0xb8;
	[tilespmem:$0x10600] =	vst v63  }
0x2bf: {  	s12 =	simm.s32 $0x1400;
	v8 =	vadd.s32 v1, v8  }
0x2c0: {  	[tilespmem:s12], [sflag:$0x1] =	stream.indirect_vreg.gather [hbm4b:s5+s2], $0x80, v7, vm0, $0xb8;
	[tilespmem:$0x10600] =	vst v63  }
0x2c1: {  	s23 =	simm.s32 $0x1C00  }
0x2c2: {  	[tilespmem:s23], [sflag:$0x1] =	stream.indirect_vreg.gather [hbm4b:s6+s2], $0x80, v7, vm0, $0xb8;
	[tilespmem:$0x10600] =	vst v63  }
0x2c3: {  	s22 =	simm.s32 $0x2400  }
0x2c4: {  	[tilespmem:s22], [sflag:$0x1] =	stream.indirect_vreg.gather [hbm4b:s3+s2], $0x80, v8, vm0, $0xb8;
	[tilespmem:$0x10600] =	vst v63  }
0x2c5: {  	s23 =	simm.s32 $0x2C00  }
0x2c6: {  	[tilespmem:s23], [sflag:$0x1] =	stream.indirect_vreg.gather [hbm4b:s4+s2], $0x80, v8, vm0, $0xb8;
	[tilespmem:$0x10600] =	vst v63  }
0x2c7: {  	s30 =	simm.s32 $0x3400  }
0x2c8: {  	[tilespmem:s30], [sflag:$0x1] =	stream.indirect_vreg.gather [hbm4b:s5+s2], $0x80, v8, vm0, $0xb8;
	[tilespmem:$0x10600] =	vst v63  }
0x2c9: {  	s22 =	simm.s32 $0x3C00  }
0x2ca: {  	[tilespmem:s22], [sflag:$0x1] =	stream.indirect_vreg.gather [hbm4b:s6+s2], $0x80, v8, vm0, $0xb8;
	[tilespmem:$0x10600] =	vst v63  }
0x2cb: {  	v7 =	vld [tilespmem:$0x190];
	_ =	sdelay $0x4  }
0x2cc: {  	v8 =	vshll.u32 v7, $0x3  }
0x2cd: {  	v7 =	vand.u32 $0x7, v7;
	v8 =	vand.u32 $0xFFFFFFC0, v8  }
0x2ce: {  	v7 =	vor.u32 v7, v8  }
0x2cf: {  	v8 =	vperm.xlane v7, v0;
	_ =	sdelay $0x1  }
0x2d0: {  	v8 =	vadd.s32 v1, v8;
	_ =	sdelay $0x3  }
0x2d1: {  	s23 =	simm.s32 $0x4400  }
0x2d2: {  	[tilespmem:s23], [sflag:$0x1] =	stream.indirect_vreg.gather [hbm4b:s3+s2], $0x80, v8, vm0, $0xb8;
	[tilespmem:$0x10600] =	vst v63  }
0x2d3: {  	s30 =	simm.s32 $0x4C00;
	v7 =	vperm.xlane v7, v2  }
0x2d4: {  	[tilespmem:s30], [sflag:$0x1] =	stream.indirect_vreg.gather [hbm4b:s4+s2], $0x80, v8, vm0, $0xb8;
	[tilespmem:$0x10600] =	vst v63  }
0x2d5: {  	s22 =	simm.s32 $0x5400;
	v7 =	vadd.s32 v1, v7  }
0x2d6: {  	[tilespmem:s22], [sflag:$0x1] =	stream.indirect_vreg.gather [hbm4b:s5+s2], $0x80, v8, vm0, $0xb8;
	[tilespmem:$0x10600] =	vst v63  }
0x2d7: {  	s10 =	simm.s32 $0x5C00  }
0x2d8: {  	[tilespmem:s10], [sflag:$0x1] =	stream.indirect_vreg.gather [hbm4b:s6+s2], $0x80, v8, vm0, $0xb8;
	[tilespmem:$0x10600] =	vst v63  }
0x2d9: {  	s23 =	simm.s32 $0x6400  }
0x2da: {  	[tilespmem:s23], [sflag:$0x1] =	stream.indirect_vreg.gather [hbm4b:s3+s2], $0x80, v7, vm0, $0xb8;
	[tilespmem:$0x10600] =	vst v63  }
0x2db: {  	s24 =	simm.s32 $0x6C00  }
0x2dc: {  	[tilespmem:s24], [sflag:$0x1] =	stream.indirect_vreg.gather [hbm4b:s4+s2], $0x80, v7, vm0, $0xb8;
	[tilespmem:$0x10600] =	vst v63  }
0x2dd: {  	s0 =	simm.s32 $0x7400  }
0x2de: {  	[tilespmem:s0], [sflag:$0x1] =	stream.indirect_vreg.gather [hbm4b:s5+s2], $0x80, v7, vm0, $0xb8;
	[tilespmem:$0x10600] =	vst v63  }
0x2df: {  	s24 =	simm.s32 $0x7C00  }
0x2e0: {  	[tilespmem:s24], [sflag:$0x1] =	stream.indirect_vreg.gather [hbm4b:s6+s2], $0x80, v7, vm0, $0xb8;
	[tilespmem:$0x10600] =	vst v63  }
0x2e1: {  	v7 =	vld [tilespmem:$0x1A0];
	_ =	sdelay $0x4  }
0x2e2: {  	v8 =	vshll.u32 v7, $0x3  }
0x2e3: {  	v7 =	vand.u32 $0x7, v7;
	v8 =	vand.u32 $0xFFFFFFC0, v8  }
0x2e4: {  	v7 =	vor.u32 v7, v8  }
0x2e5: {  	v8 =	vperm.xlane v7, v0;
	_ =	sdelay $0x1  }
0x2e6: {  	v8 =	vadd.s32 v1, v8;
	_ =	sdelay $0x3  }
0x2e7: {  	s25 =	simm.s32 $0x8400  }
0x2e8: {  	[tilespmem:s25], [sflag:$0x1] =	stream.indirect_vreg.gather [hbm4b:s3+s2], $0x80, v8, vm0, $0xb8;
	[tilespmem:$0x10600] =	vst v63  }
0x2e9: {  	s21 =	simm.s32 $0x8C00;
	v7 =	vperm.xlane v7, v2  }
0x2ea: {  	[tilespmem:s21], [sflag:$0x1] =	stream.indirect_vreg.gather [hbm4b:s4+s2], $0x80, v8, vm0, $0xb8;
	[tilespmem:$0x10600] =	vst v63  }
0x2eb: {  	v7 =	vadd.s32 v1, v7;
	s25 =	simm.s32 $0x9400  }
0x2ec: {  	[tilespmem:s25], [sflag:$0x1] =	stream.indirect_vreg.gather [hbm4b:s5+s2], $0x80, v8, vm0, $0xb8;
	[tilespmem:$0x10600] =	vst v63  }
0x2ed: {  	s14 =	simm.s32 $0x9C00  }
0x2ee: {  	[tilespmem:s14], [sflag:$0x1] =	stream.indirect_vreg.gather [hbm4b:s6+s2], $0x80, v8, vm0, $0xb8;
	[tilespmem:$0x10600] =	vst v63  }
0x2ef: {  	s15 =	simm.s32 $0xA400  }
0x2f0: {  	[tilespmem:s15], [sflag:$0x1] =	stream.indirect_vreg.gather [hbm4b:s3+s2], $0x80, v7, vm0, $0xb8;
	[tilespmem:$0x10600] =	vst v63  }
0x2f1: {  	s16 =	simm.s32 $0xAC00  }
0x2f2: {  	[tilespmem:s16], [sflag:$0x1] =	stream.indirect_vreg.gather [hbm4b:s4+s2], $0x80, v7, vm0, $0xb8;
	[tilespmem:$0x10600] =	vst v63  }
0x2f3: {  	s17 =	simm.s32 $0xB400  }
0x2f4: {  	[tilespmem:s17], [sflag:$0x1] =	stream.indirect_vreg.gather [hbm4b:s5+s2], $0x80, v7, vm0, $0xb8;
	[tilespmem:$0x10600] =	vst v63  }
0x2f5: {  	s31 =	simm.s32 $0xBC00  }
0x2f6: {  	[tilespmem:s31], [sflag:$0x1] =	stream.indirect_vreg.gather [hbm4b:s6+s2], $0x80, v7, vm0, $0xb8;
	[tilespmem:$0x10600] =	vst v63  }
0x2f7: {  	v7 =	vld [tilespmem:$0x1B0];
	_ =	sdelay $0x4  }
0x2f8: {  	v8 =	vshll.u32 v7, $0x3  }
0x2f9: {  	v7 =	vand.u32 $0x7, v7;
	v8 =	vand.u32 $0xFFFFFFC0, v8  }
0x2fa: {  	v7 =	vor.u32 v7, v8  }
0x2fb: {  	v8 =	vperm.xlane v7, v0;
	_ =	sdelay $0x1  }
0x2fc: {  	v8 =	vadd.s32 v1, v8;
	_ =	sdelay $0x3  }
0x2fd: {  	s28 =	simm.s32 $0xC400  }
0x2fe: {  	[tilespmem:s28], [sflag:$0x1] =	stream.indirect_vreg.gather [hbm4b:s3+s2], $0x80, v8, vm0, $0xb8;
	[tilespmem:$0x10600] =	vst v63  }
0x2ff: {  	s13 =	simm.s32 $0xCC00;
	v7 =	vperm.xlane v7, v2  }
0x300: {  	[tilespmem:s13], [sflag:$0x1] =	stream.indirect_vreg.gather [hbm4b:s4+s2], $0x80, v8, vm0, $0xb8;
	[tilespmem:$0x10600] =	vst v63  }
0x301: {  	v7 =	vadd.s32 v1, v7;
	s28 =	simm.s32 $0xD400  }
0x302: {  	[tilespmem:s28], [sflag:$0x1] =	stream.indirect_vreg.gather [hbm4b:s5+s2], $0x80, v8, vm0, $0xb8;
	[tilespmem:$0x10600] =	vst v63  }
0x303: {  	s29 =	simm.s32 $0xDC00  }
0x304: {  	[tilespmem:s29], [sflag:$0x1] =	stream.indirect_vreg.gather [hbm4b:s6+s2], $0x80, v8, vm0, $0xb8;
	[tilespmem:$0x10600] =	vst v63  }
0x305: {  	s19 =	simm.s32 $0xE400  }
0x306: {  	[tilespmem:s19], [sflag:$0x1] =	stream.indirect_vreg.gather [hbm4b:s3+s2], $0x80, v7, vm0, $0xb8;
	[tilespmem:$0x10600] =	vst v63  }
0x307: {  	s11 =	simm.s32 $0xEC00  }
0x308: {  	[tilespmem:s11], [sflag:$0x1] =	stream.indirect_vreg.gather [hbm4b:s4+s2], $0x80, v7, vm0, $0xb8;
	[tilespmem:$0x10600] =	vst v63  }
0x309: {  	s7 =	simm.s32 $0xF400  }
0x30a: {  	[tilespmem:s7], [sflag:$0x1] =	stream.indirect_vreg.gather [hbm4b:s5+s2], $0x80, v7, vm0, $0xb8;
	[tilespmem:$0x10600] =	vst v63  }
0x30b: {  	s20 =	simm.s32 $0xFC00  }
0x30c: {  	[tilespmem:s20], [sflag:$0x1] =	stream.indirect_vreg.gather [hbm4b:s6+s2], $0x80, v7, vm0, $0xb8;
	[tilespmem:$0x10600] =	vst v63  }
0x30d: {  	_ =	swait.ge [sflag:s18], $0x10000  }
0x30e: {  	[sflag:s18] =	ssyncset.done $0x0  }
0x30f: {  	[sflag:s18] =	ssyncadd.s32 $0xFFFF0000  }
0x310: {  	v7 =	vld [tilespmem:$0x380];
	_ =	sdelay $0x4  }
0x311: {  	v8 =	vshll.u32 v7, $0x3  }
0x312: {  	v51 =	vld [tilespmem:$0x390];
	v7 =	vand.u32 $0x7F, v7;
	v8 =	vand.u32 $0xFFFFFC00, v8  }
0x313: {  	v7 =	vor.u32 v7, v8  }
0x314: {  	v7 =	vadd.s32 v3, v7;
	_ =	sdelay $0x2  }
0x315: {  	v8 =	vshll.u32 v51, $0x3  }
0x316: {  	v52 =	vld [tilespmem:$0x3A0];
	v9 =	vand.u32 $0x7F, v51;
	v8 =	vand.u32 $0xFFFFFC00, v8  }
0x317: {  	v8 =	vor.u32 v9, v8;
	v7 =	vld.idx.msk [tilespmem:v7+s9+$0x0], $0xffff  }
0x318: {  	v8 =	vadd.s32 v4, v8;
	_ =	sdelay $0x2  }
0x319: {  	v53 =	vshll.u32 v52, $0x3  }
0x31a: {  	v54 =	vld [tilespmem:$0x3B0];
	v9 =	vand.u32 $0xFFFFFC00, v53;
	[tilespmem:$0x10580] =	vst v7;
	v7 =	vand.u32 $0x7F, v52  }
0x31b: {  	v8 =	vld.idx.msk [tilespmem:v8+s9+$0x0], $0xffff;
	v7 =	vor.u32 v7, v9  }
0x31c: {  	v7 =	vadd.s32 v5, v7;
	_ =	sdelay $0x1  }
0x31d: {  	v55 =	vld [tilespmem:$0x1C0]  }
0x31e: {  	v56 =	vshll.u32 v54, $0x3  }
0x31f: {  	v57 =	vand.u32 $0xFFFFFC00, v56;
	[tilespmem:$0x10590] =	vst v8;
	v8 =	vand.u32 $0x7F, v54  }
0x320: {  	v7 =	vld.idx.msk [tilespmem:v7+s9+$0x0], $0xffff;
	v8 =	vor.u32 v8, v57  }
0x321: {  	v8 =	vadd.s32 v6, v8  }
0x322: {  	v58 =	vshll.u32 v55, $0x3  }
0x323: {  	v10 =	vand.u32 $0xFFFFFFC0, v58;
	v9 =	vand.u32 $0x7, v55  }
0x324: {  	v9 =	vor.u32 v9, v10  }
0x325: {  	[tilespmem:$0x105A0] =	vst v7;
	v7 =	vperm.xlane v9, v0  }
0x326: {  	v8 =	vld.idx.msk [tilespmem:v8+s9+$0x0], $0xffff  }
0x327: {  	v7 =	vadd.s32 v1, v7;
	_ =	sdelay $0x3  }
0x328: {  	[tilespmem:$0x105B0] =	vst v8  }
0x329: {  	[tilespmem:s9], [sflag:$0x1] =	stream.indirect_vreg.gather [hbm4b:s3+s2], $0x80, v7, vm0, $0xb8;
	[tilespmem:$0x10600] =	vst v63  }
0x32a: {  	s26 =	simm.s32 $0xC00;
	v8 =	vperm.xlane v9, v2  }
0x32b: {  	[tilespmem:s26], [sflag:$0x1] =	stream.indirect_vreg.gather [hbm4b:s4+s2], $0x80, v7, vm0, $0xb8;
	[tilespmem:$0x10600] =	vst v63  }
0x32c: {  	s8 =	simm.s32 $0x1400;
	v8 =	vadd.s32 v1, v8  }
0x32d: {  	[tilespmem:s8], [sflag:$0x1] =	stream.indirect_vreg.gather [hbm4b:s5+s2], $0x80, v7, vm0, $0xb8;
	[tilespmem:$0x10600] =	vst v63  }
0x32e: {  	s12 =	simm.s32 $0x1C00  }
0x32f: {  	[tilespmem:s12], [sflag:$0x1] =	stream.indirect_vreg.gather [hbm4b:s6+s2], $0x80, v7, vm0, $0xb8;
	[tilespmem:$0x10600] =	vst v63  }
0x330: {  	s12 =	simm.s32 $0x2400  }
0x331: {  	[tilespmem:s12], [sflag:$0x1] =	stream.indirect_vreg.gather [hbm4b:s3+s2], $0x80, v8, vm0, $0xb8;
	[tilespmem:$0x10600] =	vst v63  }
0x332: {  	s19 =	simm.s32 $0x2C00  }
0x333: {  	[tilespmem:s19], [sflag:$0x1] =	stream.indirect_vreg.gather [hbm4b:s4+s2], $0x80, v8, vm0, $0xb8;
	[tilespmem:$0x10600] =	vst v63  }
0x334: {  	s20 =	simm.s32 $0x3400  }
0x335: {  	[tilespmem:s20], [sflag:$0x1] =	stream.indirect_vreg.gather [hbm4b:s5+s2], $0x80, v8, vm0, $0xb8;
	[tilespmem:$0x10600] =	vst v63  }
0x336: {  	s26 =	simm.s32 $0x3C00  }
0x337: {  	[tilespmem:s26], [sflag:$0x1] =	stream.indirect_vreg.gather [hbm4b:s6+s2], $0x80, v8, vm0, $0xb8;
	[tilespmem:$0x10600] =	vst v63  }
0x338: {  	v7 =	vld [tilespmem:$0x1D0];
	_ =	sdelay $0x4  }
0x339: {  	v8 =	vshll.u32 v7, $0x3  }
0x33a: {  	v7 =	vand.u32 $0x7, v7;
	v8 =	vand.u32 $0xFFFFFFC0, v8  }
0x33b: {  	v7 =	vor.u32 v7, v8  }
0x33c: {  	v8 =	vperm.xlane v7, v0;
	_ =	sdelay $0x1  }
0x33d: {  	v8 =	vadd.s32 v1, v8;
	_ =	sdelay $0x3  }
0x33e: {  	s29 =	simm.s32 $0x4400  }
0x33f: {  	[tilespmem:s29], [sflag:$0x1] =	stream.indirect_vreg.gather [hbm4b:s3+s2], $0x80, v8, vm0, $0xb8;
	[tilespmem:$0x10600] =	vst v63  }
0x340: {  	s12 =	simm.s32 $0x4C00;
	v7 =	vperm.xlane v7, v2  }
0x341: {  	[tilespmem:s12], [sflag:$0x1] =	stream.indirect_vreg.gather [hbm4b:s4+s2], $0x80, v8, vm0, $0xb8;
	[tilespmem:$0x10600] =	vst v63  }
0x342: {  	s19 =	simm.s32 $0x5400;
	v7 =	vadd.s32 v1, v7  }
0x343: {  	[tilespmem:s19], [sflag:$0x1] =	stream.indirect_vreg.gather [hbm4b:s5+s2], $0x80, v8, vm0, $0xb8;
	[tilespmem:$0x10600] =	vst v63  }
0x344: {  	s1 =	simm.s32 $0x5C00  }
0x345: {  	[tilespmem:s1], [sflag:$0x1] =	stream.indirect_vreg.gather [hbm4b:s6+s2], $0x80, v8, vm0, $0xb8;
	[tilespmem:$0x10600] =	vst v63  }
0x346: {  	s20 =	simm.s32 $0x6400  }
0x347: {  	[tilespmem:s20], [sflag:$0x1] =	stream.indirect_vreg.gather [hbm4b:s3+s2], $0x80, v7, vm0, $0xb8;
	[tilespmem:$0x10600] =	vst v63  }
0x348: {  	s10 =	simm.s32 $0x6C00  }
0x349: {  	[tilespmem:s10], [sflag:$0x1] =	stream.indirect_vreg.gather [hbm4b:s4+s2], $0x80, v7, vm0, $0xb8;
	[tilespmem:$0x10600] =	vst v63  }
0x34a: {  	s22 =	simm.s32 $0x7400  }
0x34b: {  	[tilespmem:s22], [sflag:$0x1] =	stream.indirect_vreg.gather [hbm4b:s5+s2], $0x80, v7, vm0, $0xb8;
	[tilespmem:$0x10600] =	vst v63  }
0x34c: {  	s30 =	simm.s32 $0x7C00  }
0x34d: {  	[tilespmem:s30], [sflag:$0x1] =	stream.indirect_vreg.gather [hbm4b:s6+s2], $0x80, v7, vm0, $0xb8;
	[tilespmem:$0x10600] =	vst v63  }
0x34e: {  	v7 =	vld [tilespmem:$0x1E0];
	_ =	sdelay $0x4  }
0x34f: {  	v8 =	vshll.u32 v7, $0x3  }
0x350: {  	v7 =	vand.u32 $0x7, v7;
	v8 =	vand.u32 $0xFFFFFFC0, v8  }
0x351: {  	v7 =	vor.u32 v7, v8  }
0x352: {  	v8 =	vperm.xlane v7, v0;
	_ =	sdelay $0x1  }
0x353: {  	v8 =	vadd.s32 v1, v8;
	_ =	sdelay $0x3  }
0x354: {  	s24 =	simm.s32 $0x8400  }
0x355: {  	[tilespmem:s24], [sflag:$0x1] =	stream.indirect_vreg.gather [hbm4b:s3+s2], $0x80, v8, vm0, $0xb8;
	[tilespmem:$0x10600] =	vst v63  }
0x356: {  	s0 =	simm.s32 $0x8C00;
	v7 =	vperm.xlane v7, v2  }
0x357: {  	[tilespmem:s0], [sflag:$0x1] =	stream.indirect_vreg.gather [hbm4b:s4+s2], $0x80, v8, vm0, $0xb8;
	[tilespmem:$0x10600] =	vst v63  }
0x358: {  	v7 =	vadd.s32 v1, v7;
	s24 =	simm.s32 $0x9400  }
0x359: {  	[tilespmem:s24], [sflag:$0x1] =	stream.indirect_vreg.gather [hbm4b:s5+s2], $0x80, v8, vm0, $0xb8;
	[tilespmem:$0x10600] =	vst v63  }
0x35a: {  	s23 =	simm.s32 $0x9C00  }
0x35b: {  	[tilespmem:s23], [sflag:$0x1] =	stream.indirect_vreg.gather [hbm4b:s6+s2], $0x80, v8, vm0, $0xb8;
	[tilespmem:$0x10600] =	vst v63  }
0x35c: {  	s14 =	simm.s32 $0xA400  }
0x35d: {  	[tilespmem:s14], [sflag:$0x1] =	stream.indirect_vreg.gather [hbm4b:s3+s2], $0x80, v7, vm0, $0xb8;
	[tilespmem:$0x10600] =	vst v63  }
0x35e: {  	s15 =	simm.s32 $0xAC00  }
0x35f: {  	[tilespmem:s15], [sflag:$0x1] =	stream.indirect_vreg.gather [hbm4b:s4+s2], $0x80, v7, vm0, $0xb8;
	[tilespmem:$0x10600] =	vst v63  }
0x360: {  	s16 =	simm.s32 $0xB400  }
0x361: {  	[tilespmem:s16], [sflag:$0x1] =	stream.indirect_vreg.gather [hbm4b:s5+s2], $0x80, v7, vm0, $0xb8;
	[tilespmem:$0x10600] =	vst v63  }
0x362: {  	s31 =	simm.s32 $0xBC00  }
0x363: {  	[tilespmem:s31], [sflag:$0x1] =	stream.indirect_vreg.gather [hbm4b:s6+s2], $0x80, v7, vm0, $0xb8;
	[tilespmem:$0x10600] =	vst v63  }
0x364: {  	v7 =	vld [tilespmem:$0x1F0];
	_ =	sdelay $0x4  }
0x365: {  	v8 =	vshll.u32 v7, $0x3  }
0x366: {  	v7 =	vand.u32 $0x7, v7;
	v8 =	vand.u32 $0xFFFFFFC0, v8  }
0x367: {  	v7 =	vor.u32 v7, v8  }
0x368: {  	v8 =	vperm.xlane v7, v0;
	_ =	sdelay $0x1  }
0x369: {  	v8 =	vadd.s32 v1, v8;
	_ =	sdelay $0x3  }
0x36a: {  	s25 =	simm.s32 $0xC400  }
0x36b: {  	[tilespmem:s25], [sflag:$0x1] =	stream.indirect_vreg.gather [hbm4b:s3+s2], $0x80, v8, vm0, $0xb8;
	[tilespmem:$0x10600] =	vst v63  }
0x36c: {  	s21 =	simm.s32 $0xCC00;
	v7 =	vperm.xlane v7, v2  }
0x36d: {  	[tilespmem:s21], [sflag:$0x1] =	stream.indirect_vreg.gather [hbm4b:s4+s2], $0x80, v8, vm0, $0xb8;
	[tilespmem:$0x10600] =	vst v63  }
0x36e: {  	v7 =	vadd.s32 v1, v7;
	s25 =	simm.s32 $0xD400  }
0x36f: {  	[tilespmem:s25], [sflag:$0x1] =	stream.indirect_vreg.gather [hbm4b:s5+s2], $0x80, v8, vm0, $0xb8;
	[tilespmem:$0x10600] =	vst v63  }
0x370: {  	s28 =	simm.s32 $0xDC00  }
0x371: {  	[tilespmem:s28], [sflag:$0x1] =	stream.indirect_vreg.gather [hbm4b:s6+s2], $0x80, v8, vm0, $0xb8;
	[tilespmem:$0x10600] =	vst v63  }
0x372: {  	s17 =	simm.s32 $0xE400  }
0x373: {  	[tilespmem:s17], [sflag:$0x1] =	stream.indirect_vreg.gather [hbm4b:s3+s2], $0x80, v7, vm0, $0xb8;
	[tilespmem:$0x10600] =	vst v63  }
0x374: {  	s13 =	simm.s32 $0xEC00  }
0x375: {  	[tilespmem:s13], [sflag:$0x1] =	stream.indirect_vreg.gather [hbm4b:s4+s2], $0x80, v7, vm0, $0xb8;
	[tilespmem:$0x10600] =	vst v63  }
0x376: {  	s11 =	simm.s32 $0xF400  }
0x377: {  	[tilespmem:s11], [sflag:$0x1] =	stream.indirect_vreg.gather [hbm4b:s5+s2], $0x80, v7, vm0, $0xb8;
	[tilespmem:$0x10600] =	vst v63  }
0x378: {  	s7 =	simm.s32 $0xFC00  }
0x379: {  	[tilespmem:s7], [sflag:$0x1] =	stream.indirect_vreg.gather [hbm4b:s6+s2], $0x80, v7, vm0, $0xb8;
	[tilespmem:$0x10600] =	vst v63  }
0x37a: {  	s26 =	rddreg [dreg:$0xa];
	_ =	swait.ge [sflag:s18], $0x10000  }
0x37b: {  	[sflag:s18] =	ssyncset.done $0x0  }
0x37c: {  	[sflag:s18] =	ssyncadd.s32 $0xFFFF0000  }
0x37d: {  	v7 =	vld [tilespmem:$0x3C0];
	_ =	sdelay $0x4  }
0x37e: {  	v8 =	vshll.u32 v7, $0x3  }
0x37f: {  	v59 =	vld [tilespmem:$0x3D0];
	v7 =	vand.u32 $0x7F, v7;
	v8 =	vand.u32 $0xFFFFFC00, v8  }
0x380: {  	v7 =	vor.u32 v7, v8  }
0x381: {  	v7 =	vadd.s32 v3, v7;
	_ =	sdelay $0x2  }
0x382: {  	v8 =	vshll.u32 v59, $0x3  }
0x383: {  	v60 =	vld [tilespmem:$0x3E0];
	v9 =	vand.u32 $0x7F, v59;
	v8 =	vand.u32 $0xFFFFFC00, v8  }
0x384: {  	v8 =	vor.u32 v9, v8;
	v7 =	vld.idx.msk [tilespmem:v7+s9+$0x0], $0xffff  }
0x385: {  	v8 =	vadd.s32 v4, v8;
	_ =	sdelay $0x2  }
0x386: {  	v61 =	vshll.u32 v60, $0x3  }
0x387: {  	v62 =	vld [tilespmem:$0x3F0];
	v9 =	vand.u32 $0xFFFFFC00, v61;
	[tilespmem:$0x105C0] =	vst v7;
	v7 =	vand.u32 $0x7F, v60  }
0x388: {  	v8 =	vld.idx.msk [tilespmem:v8+s9+$0x0], $0xffff;
	v7 =	vor.u32 v7, v9  }
0x389: {  	v7 =	vadd.s32 v5, v7;
	_ =	sdelay $0x2  }
0x38a: {  	v63 =	vshll.u32 v62, $0x3  }
0x38b: {  	v9 =	vand.u32 $0xFFFFFC00, v63;
	[tilespmem:$0x105D0] =	vst v8;
	v8 =	vand.u32 $0x7F, v62  }
0x38c: {  	v8 =	vor.u32 v8, v9;
	v7 =	vld.idx.msk [tilespmem:v7+s9+$0x0], $0xffff  }
0x38d: {  	v8 =	vadd.s32 v6, v8;
	_ =	sdelay $0x3  }
0x38e: {  	[tilespmem:$0x105E0] =	vst v7  }
0x38f: {  	v7 =	vld.idx.msk [tilespmem:v8+s9+$0x0], $0xffff;
	_ =	sdelay $0x3  }
0x390: {  	p0 =	sne.s32 s26, $0x1;
	s28 =	rddreg [dreg:$0x7]  }
.Ltmp0:
0x391: {  	s30 =	simm.s32 $0x2;
	s29 =	rddreg [dreg:$0x9];
	[tilespmem:$0x105F0] =	vst v7;
	(pc) =	sbr.rel @p0 .LBB2_1-.Ltmp0, $4  }
0x392: {  	[hbm4b:s28+s2] =	stream.linear.scatter [tilespmem:s29], [sflag:$0x2], $0x200, $0x38;
	[tilespmem:$0x10600] =	vst v63  }
0x393: {  	_ =	swait.ge [sflag:s30], $0x200  }
0x394: {  	s31 =	simm.s32 $0x2;
	[sflag:s30] =	ssyncset.done $0x0  }
0x395: {  	s1 =	sadd.s32 $0xFFFFFFFF, s26;
	[sflag:s31] =	ssyncadd.s32 $0xFFFFFE00  }
0x396: {  	_ =	sfence.sel $0x180000  }
0x397: {  	[bflag:$0x0] =	sbarrier.arrive $0xFFFF  }
0x398: {  	_ =	strace $0x90000047  }
0x399: {  	s0 =	stileid.u32;
	[bflag:$0x2] =	sbarrier.arrive $0xFFFF  }
0x39a: {  	p0 =	sne.s32 s0, $0x0;
	s0 =	rddreg [dreg:$0x4]  }
0x39b: {  	s0 =	sadd.s32 @!p0 $0x100000, s0  }
0x39c: {  	[sflag:s0] =	ssyncadd.tile.s32 @!p0 $0x1;
	_ =	shalt  }
.Lfunc_end2:
_tile_overlayer_lowered:
.L_overlay_start_2:
0x39d: {  	(tag) =	ssettag $0x2  }
0x39e: {  	s0 =	rddreg [dreg:$0x0];
	s2 =	stileid.u32  }
0x39f: {  	s1 =	rddreg [dreg:$0x1];
	p0 =	sne.s32 s2, $0x0  }
0x3a0: {  	s3 =	rddreg [dreg:$0x2];
	[bflag:$0x3] =	sbarrier.arrive $0xFFFF;
	s2 =	simm.s32 @!p0 $0x1C02  }
0x3a1: {  	[timem:s3], [sflag:s2] =	dma.local @!p0 [hbm:s0], s1  }
0x3a2: {  	s0 =	simm.s32 @!p0 $0x2  }
0x3a3: {  	_ =	swait.ge @!p0 [sflag:s0], s1  }
0x3a4: {  	s1 =	ssub.s32 @!p0 $0x0, s1;
	[sflag:s0] =	ssyncset.done @!p0 $0x0  }
0x3a5: {  	[sflag:s0] =	ssyncadd.s32 @!p0 s1  }
0x3a6: {  	[bflag:$0x3] =	sbarrier.arrive $0xFFFF  }
0x3a7: {  	_ =	shalt  }

</sc_bundles>
